<compile_context>
chip_gen: v7x
topology: tpu7x:2x2x1
jax: 0.10.2.dev20260603
libtpu: 0.0.44.dev20260713+nightly
codegen_flags: <defaults>
</compile_context>

<pallas_src>
import jax
import jax.numpy as jnp
from jax import lax
from jax.experimental import pallas as pl
from jax.experimental.pallas import tpu as pltpu
from jax.experimental.pallas import tpu_sc as plsc

_NC = 2
_NS = 16
_NW = _NC * _NS
_LANES = 16

_B, _S, _H = 4, 2048, 1536
_NTOK = _B * _S
_PER_W = _NTOK // _NW
_CHUNKS = (40, 40, 40, 40, 40, 40, 16)
_MAXCHUNK = max(_CHUNKS)
_OFFS = tuple(sum(_CHUNKS[:i]) for i in range(len(_CHUNKS)))
_NCHUNK = len(_CHUNKS)
_NBUF = 2
_SCHUNKS = _S // _LANES


def _make_sc_call():
    mesh = plsc.VectorSubcoreMesh(core_axis_name="c", subcore_axis_name="s",
                                  num_cores=_NC, num_subcores=_NS)
    scratch = [pltpu.VMEM((n,), jnp.int32) for n in _CHUNKS]
    scratch += [pltpu.VMEM((_MAXCHUNK, _H), jnp.float32)
                for _ in range(_NBUF)]
    scratch += [
        pltpu.VMEM((_S,), jnp.int32),
        pltpu.VMEM((_LANES,), jnp.int32),
        pltpu.VMEM((1, _H), jnp.float32),
        pltpu.SMEM((2,), jnp.int32),
    ]
    scratch += [pltpu.SemaphoreType.DMA] * (2 * _NBUF + 3)
    return pl.kernel(
        _sc_body,
        out_type=(
            jax.ShapeDtypeStruct((_NTOK, _H), jnp.float32),
            jax.ShapeDtypeStruct((_B, _H), jnp.float32),
        ),
        mesh=mesh,
        scratch_types=scratch,
    )


def _sc_body(table_hbm, ids_hbm, ids2_hbm, mask_hbm, out_hbm, last_hbm,
             *scratch):
    idx_c = scratch[:_NCHUNK]
    bufs = scratch[_NCHUNK:_NCHUNK + _NBUF]
    row_v, lastidx_v, lastbuf, pos_smem = scratch[_NCHUNK + _NBUF:
                                                  _NCHUNK + _NBUF + 4]
    sems = scratch[_NCHUNK + _NBUF + 4:]
    gsems = sems[:_NBUF]
    osems = sems[_NBUF:2 * _NBUF]
    msem, lsem, isem = sems[2 * _NBUF:]

    wid = lax.axis_index("s") * _NC + lax.axis_index("c")
    base = pl.multiple_of(wid * _PER_W, _PER_W)
    is_last_worker = wid < _B

    ih = []
    for c in range(_NCHUNK):
        ih.append(pltpu.async_copy(
            ids_hbm.at[pl.ds(base + _OFFS[c], _CHUNKS[c])], idx_c[c], isem))
    for h in ih:
        h.wait()

    @pl.when(is_last_worker)
    def _start_mask():
        pltpu.async_copy(mask_hbm.at[wid], row_v, msem)

    gh = [None] * _NBUF
    oh = [None] * _NBUF
    for c in range(_NCHUNK):
        s = c % _NBUF
        if oh[s] is not None:
            oh[s].wait()
        gh[s] = pltpu.async_copy(
            table_hbm.at[idx_c[c]],
            bufs[s].at[pl.ds(0, _CHUNKS[c])], gsems[s])

        if c > 0:
            ps = (c - 1) % _NBUF
            gh[ps].wait()
            oh[ps] = pltpu.async_copy(
                bufs[ps].at[pl.ds(0, _CHUNKS[c - 1])],
                out_hbm.at[pl.ds(base + _OFFS[c - 1], _CHUNKS[c - 1])],
                osems[ps])

        if c == 0:
            @pl.when(is_last_worker)
            def _mask_sum():
                pltpu.make_async_copy(mask_hbm.at[wid], row_v, msem).wait()

                def _sum_body(i, acc):
                    off = pl.multiple_of(i * _LANES, _LANES)
                    return acc + row_v[pl.ds(off, _LANES)]

                acc = lax.fori_loop(0, _SCHUNKS, _sum_body,
                                    jnp.zeros((_LANES,), jnp.int32))
                total = acc[0]
                for i in range(1, _LANES):
                    total = total + acc[i]
                pos_smem[0] = total - 1
                pltpu.async_copy(ids2_hbm.at[wid], row_v, msem)
        elif c == 1:
            @pl.when(is_last_worker)
            def _pick_tid():
                pltpu.make_async_copy(ids2_hbm.at[wid], row_v, msem).wait()
                pos = pos_smem[0]

                def _pick_body(i, best):
                    off = pl.multiple_of(i * _LANES, _LANES)
                    v = row_v[pl.ds(off, _LANES)]
                    lane_pos = lax.iota(jnp.int32, _LANES) + off
                    return jnp.maximum(best,
                                       jnp.where(lane_pos == pos, v, -1))

                best = lax.fori_loop(0, _SCHUNKS, _pick_body,
                                     jnp.full((_LANES,), -1, jnp.int32))
                tid = best[0]
                for i in range(1, _LANES):
                    tid = jnp.maximum(tid, best[i])
                lastidx_v[...] = jnp.full((_LANES,), tid, jnp.int32)
                pltpu.async_copy(table_hbm.at[lastidx_v.at[pl.ds(0, 1)]],
                                 lastbuf, lsem)
        elif c == 2:
            @pl.when(is_last_worker)
            def _emit_last():
                pltpu.make_async_copy(table_hbm.at[lastidx_v.at[pl.ds(0, 1)]],
                                      lastbuf, lsem).wait()
                pltpu.async_copy(lastbuf.at[0], last_hbm.at[wid], msem)
    last_c = _NCHUNK - 1
    s = last_c % _NBUF
    gh[s].wait()
    oh[s] = pltpu.async_copy(
        bufs[s].at[pl.ds(0, _CHUNKS[last_c])],
        out_hbm.at[pl.ds(base + _OFFS[last_c], _CHUNKS[last_c])], osems[s])
    for s in range(_NBUF):
        if oh[s] is not None:
            oh[s].wait()

    @pl.when(is_last_worker)
    def _drain_last():
        pltpu.make_async_copy(lastbuf.at[0], last_hbm.at[wid], msem).wait()


@jax.jit
def _run(table, ids_flat, ids_2d, mask_2d):
    out_flat, last = _make_sc_call()(table, ids_flat, ids_2d, mask_2d)
    return out_flat, last


def kernel(table, input_ids, attention_mask):
    ids_2d = input_ids.astype(jnp.int32)
    ids_flat = ids_2d.reshape(-1)
    mask_2d = attention_mask.astype(jnp.int32)
    out_flat, last = _run(table, ids_flat, ids_2d, mask_2d)
    return out_flat.reshape(_B, _S, _H), last

# --- scband reference (transcript-rebuilt; emitter-appended) ---
"""Pipeline reference for scband-l0-perception-mock-29540785062020 (READ-ONLY COPY).

The authoritative reference and input builder live on the scoring server;
editing this copy changes nothing except your own understanding.
"""

import jax, jax.numpy as jnp
import numpy as np

VOCAB = 151936
HIDDEN = 1536
B, S = 4, 2048

def setup_inputs(seed: int = 0) -> dict:
    key = jax.random.key(seed)
    k1, k2 = jax.random.split(key)
    input_ids = jax.random.randint(k1, (B, S), 0, VOCAB, dtype=jnp.int64 if jax.config.jax_enable_x64 else jnp.int32)
    attention_mask = jnp.ones((B, S), dtype=input_ids.dtype)
    table = jax.random.normal(k2, (VOCAB, HIDDEN), dtype=jnp.float32) * 0.02
    return {"table": table, "input_ids": input_ids, "attention_mask": attention_mask}

def reference(table, input_ids, attention_mask):
    # nn.Embedding lookup -> gather rows
    hidden_states = jnp.take(table, input_ids, axis=0)  # [B, S, H]
    # attention_mask provided: pick last valid token per sequence
    seq_lengths = attention_mask.sum(axis=1) - 1  # [B]
    batch_idx = jnp.arange(hidden_states.shape[0])
    last_hidden = hidden_states[batch_idx, seq_lengths]  # [B, H]
    return (hidden_states, last_hidden)

if __name__ == "__main__":
    import jax
    _d = setup_inputs()
    print(jax.jit(kernel)(*tuple(_d.values())))

</pallas_src>

<mosaic_0001>
#map = affine_map<(d0, d1) -> (0, 0)>
#map1 = affine_map<(d0, d1) -> (0)>
module attributes {stable_mosaic.version = 14 : i64} {
  func.func @_sc_body(%arg0: i32, %arg1: i32, %arg2: memref<151936x1536xf32, #tpu.memory_space<hbm>>, %arg3: memref<8192xi32, #tpu.memory_space<hbm>>, %arg4: memref<4x2048xi32, #tpu.memory_space<hbm>>, %arg5: memref<4x2048xi32, #tpu.memory_space<hbm>>, %arg6: memref<8192x1536xf32, #tpu.memory_space<hbm>>, %arg7: memref<4x1536xf32, #tpu.memory_space<hbm>>, %arg8: memref<40xi32, #tpu.memory_space<vmem>>, %arg9: memref<40xi32, #tpu.memory_space<vmem>>, %arg10: memref<40xi32, #tpu.memory_space<vmem>>, %arg11: memref<40xi32, #tpu.memory_space<vmem>>, %arg12: memref<40xi32, #tpu.memory_space<vmem>>, %arg13: memref<40xi32, #tpu.memory_space<vmem>>, %arg14: memref<16xi32, #tpu.memory_space<vmem>>, %arg15: memref<40x1536xf32, #tpu.memory_space<vmem>>, %arg16: memref<40x1536xf32, #tpu.memory_space<vmem>>, %arg17: memref<2048xi32, #tpu.memory_space<vmem>>, %arg18: memref<16xi32, #tpu.memory_space<vmem>>, %arg19: memref<1x1536xf32, #tpu.memory_space<vmem>>, %arg20: memref<2xi32, #tpu.memory_space<smem>>, %arg21: memref<!tpu.dma_semaphore, #tpu.memory_space<semaphore_mem>>, %arg22: memref<!tpu.dma_semaphore, #tpu.memory_space<semaphore_mem>>, %arg23: memref<!tpu.dma_semaphore, #tpu.memory_space<semaphore_mem>>, %arg24: memref<!tpu.dma_semaphore, #tpu.memory_space<semaphore_mem>>, %arg25: memref<!tpu.dma_semaphore, #tpu.memory_space<semaphore_mem>>, %arg26: memref<!tpu.dma_semaphore, #tpu.memory_space<semaphore_mem>>, %arg27: memref<!tpu.dma_semaphore, #tpu.memory_space<semaphore_mem>>) attributes {dimension_semantics = [#tpu.dimension_semantics<core_parallel>, #tpu.dimension_semantics<subcore_parallel>], iteration_bounds = array<i64: 2, 16>, scalar_prefetch = 0 : i64, scratch_operands = 20 : i64, tpu.core_type = #tpu.core_type<sc_vector_subcore>, window_params = [{transform_indices = #map}, {transform_indices = #map1}, {transform_indices = #map}, {transform_indices = #map}, {transform_indices = #map}, {transform_indices = #map}]} {
    %mul3A = arith.constant 2 : i32
    %mul3A_0 = arith.muli %arg1, %mul3A : i32
    %add3A = arith.addi %mul3A_0, %arg0 : i32
    %mul3A_1 = arith.constant 256 : i32
    %mul3A_2 = arith.muli %add3A, %mul3A_1 : i32
    %multiple_of3A = tpu.assume_multiple %mul3A_2, 256 : i32
    %lt3A = arith.constant 4 : i32
    %lt3A_3 = arith.cmpi slt, %add3A, %lt3A : i32
    %add3A_4 = arith.constant 0 : i32
    %add3A_5 = arith.addi %multiple_of3A, %add3A_4 : i32
    %dma_start3A = tpu.memref_slice %arg3[%add3A_5] : memref<8192xi32, #tpu.memory_space<hbm>> -> memref<40xi32, #tpu.memory_space<hbm>>
    %dma_start3A_6 = tpu.memref_slice %arg3[%add3A_5] : memref<8192xi32, #tpu.memory_space<hbm>> -> memref<40xi32, #tpu.memory_space<hbm>>
    tpu.enqueue_dma source(%dma_start3A_6 : memref<40xi32, #tpu.memory_space<hbm>>) target(%arg8 : memref<40xi32, #tpu.memory_space<vmem>>) target_semaphore(%arg27 : memref<!tpu.dma_semaphore, #tpu.memory_space<semaphore_mem>>)
    %add3A_7 = arith.constant 40 : i32
    %add3A_8 = arith.addi %multiple_of3A, %add3A_7 : i32
    %dma_start3A_9 = tpu.memref_slice %arg3[%add3A_8] : memref<8192xi32, #tpu.memory_space<hbm>> -> memref<40xi32, #tpu.memory_space<hbm>>
    %dma_start3A_10 = tpu.memref_slice %arg3[%add3A_8] : memref<8192xi32, #tpu.memory_space<hbm>> -> memref<40xi32, #tpu.memory_space<hbm>>
    tpu.enqueue_dma source(%dma_start3A_10 : memref<40xi32, #tpu.memory_space<hbm>>) target(%arg9 : memref<40xi32, #tpu.memory_space<vmem>>) target_semaphore(%arg27 : memref<!tpu.dma_semaphore, #tpu.memory_space<semaphore_mem>>)
    %add3A_11 = arith.constant 80 : i32
    %add3A_12 = arith.addi %multiple_of3A, %add3A_11 : i32
    %dma_start3A_13 = tpu.memref_slice %arg3[%add3A_12] : memref<8192xi32, #tpu.memory_space<hbm>> -> memref<40xi32, #tpu.memory_space<hbm>>
    %dma_start3A_14 = tpu.memref_slice %arg3[%add3A_12] : memref<8192xi32, #tpu.memory_space<hbm>> -> memref<40xi32, #tpu.memory_space<hbm>>
    tpu.enqueue_dma source(%dma_start3A_14 : memref<40xi32, #tpu.memory_space<hbm>>) target(%arg10 : memref<40xi32, #tpu.memory_space<vmem>>) target_semaphore(%arg27 : memref<!tpu.dma_semaphore, #tpu.memory_space<semaphore_mem>>)
    %add3A_15 = arith.constant 120 : i32
    %add3A_16 = arith.addi %multiple_of3A, %add3A_15 : i32
    %dma_start3A_17 = tpu.memref_slice %arg3[%add3A_16] : memref<8192xi32, #tpu.memory_space<hbm>> -> memref<40xi32, #tpu.memory_space<hbm>>
    %dma_start3A_18 = tpu.memref_slice %arg3[%add3A_16] : memref<8192xi32, #tpu.memory_space<hbm>> -> memref<40xi32, #tpu.memory_space<hbm>>
    tpu.enqueue_dma source(%dma_start3A_18 : memref<40xi32, #tpu.memory_space<hbm>>) target(%arg11 : memref<40xi32, #tpu.memory_space<vmem>>) target_semaphore(%arg27 : memref<!tpu.dma_semaphore, #tpu.memory_space<semaphore_mem>>)
    %add3A_19 = arith.constant 160 : i32
    %add3A_20 = arith.addi %multiple_of3A, %add3A_19 : i32
    %dma_start3A_21 = tpu.memref_slice %arg3[%add3A_20] : memref<8192xi32, #tpu.memory_space<hbm>> -> memref<40xi32, #tpu.memory_space<hbm>>
    %dma_start3A_22 = tpu.memref_slice %arg3[%add3A_20] : memref<8192xi32, #tpu.memory_space<hbm>> -> memref<40xi32, #tpu.memory_space<hbm>>
    tpu.enqueue_dma source(%dma_start3A_22 : memref<40xi32, #tpu.memory_space<hbm>>) target(%arg12 : memref<40xi32, #tpu.memory_space<vmem>>) target_semaphore(%arg27 : memref<!tpu.dma_semaphore, #tpu.memory_space<semaphore_mem>>)
    %add3A_23 = arith.constant 200 : i32
    %add3A_24 = arith.addi %multiple_of3A, %add3A_23 : i32
    %dma_start3A_25 = tpu.memref_slice %arg3[%add3A_24] : memref<8192xi32, #tpu.memory_space<hbm>> -> memref<40xi32, #tpu.memory_space<hbm>>
    %dma_start3A_26 = tpu.memref_slice %arg3[%add3A_24] : memref<8192xi32, #tpu.memory_space<hbm>> -> memref<40xi32, #tpu.memory_space<hbm>>
    tpu.enqueue_dma source(%dma_start3A_26 : memref<40xi32, #tpu.memory_space<hbm>>) target(%arg13 : memref<40xi32, #tpu.memory_space<vmem>>) target_semaphore(%arg27 : memref<!tpu.dma_semaphore, #tpu.memory_space<semaphore_mem>>)
    %add3A_27 = arith.constant 240 : i32
    %add3A_28 = arith.addi %multiple_of3A, %add3A_27 : i32
    %dma_start3A_29 = tpu.memref_slice %arg3[%add3A_28] : memref<8192xi32, #tpu.memory_space<hbm>> -> memref<16xi32, #tpu.memory_space<hbm>>
    %dma_start3A_30 = tpu.memref_slice %arg3[%add3A_28] : memref<8192xi32, #tpu.memory_space<hbm>> -> memref<16xi32, #tpu.memory_space<hbm>>
    tpu.enqueue_dma source(%dma_start3A_30 : memref<16xi32, #tpu.memory_space<hbm>>) target(%arg14 : memref<16xi32, #tpu.memory_space<vmem>>) target_semaphore(%arg27 : memref<!tpu.dma_semaphore, #tpu.memory_space<semaphore_mem>>)
    %dma_wait3A = tpu.memref_slice %arg3[%add3A_5] : memref<8192xi32, #tpu.memory_space<hbm>> -> memref<40xi32, #tpu.memory_space<hbm>>
    %dma_wait3A_31 = tpu.memref_slice %arg3[%add3A_5] : memref<8192xi32, #tpu.memory_space<hbm>> -> memref<40xi32, #tpu.memory_space<hbm>>
    tpu.wait_dma2 semaphore(%arg27 : memref<!tpu.dma_semaphore, #tpu.memory_space<semaphore_mem>>) src(%dma_wait3A_31 : memref<40xi32, #tpu.memory_space<hbm>>) dst(%arg8 : memref<40xi32, #tpu.memory_space<vmem>>)
    %dma_wait3A_32 = tpu.memref_slice %arg3[%add3A_8] : memref<8192xi32, #tpu.memory_space<hbm>> -> memref<40xi32, #tpu.memory_space<hbm>>
    %dma_wait3A_33 = tpu.memref_slice %arg3[%add3A_8] : memref<8192xi32, #tpu.memory_space<hbm>> -> memref<40xi32, #tpu.memory_space<hbm>>
    tpu.wait_dma2 semaphore(%arg27 : memref<!tpu.dma_semaphore, #tpu.memory_space<semaphore_mem>>) src(%dma_wait3A_33 : memref<40xi32, #tpu.memory_space<hbm>>) dst(%arg9 : memref<40xi32, #tpu.memory_space<vmem>>)
    %dma_wait3A_34 = tpu.memref_slice %arg3[%add3A_12] : memref<8192xi32, #tpu.memory_space<hbm>> -> memref<40xi32, #tpu.memory_space<hbm>>
    %dma_wait3A_35 = tpu.memref_slice %arg3[%add3A_12] : memref<8192xi32, #tpu.memory_space<hbm>> -> memref<40xi32, #tpu.memory_space<hbm>>
    tpu.wait_dma2 semaphore(%arg27 : memref<!tpu.dma_semaphore, #tpu.memory_space<semaphore_mem>>) src(%dma_wait3A_35 : memref<40xi32, #tpu.memory_space<hbm>>) dst(%arg10 : memref<40xi32, #tpu.memory_space<vmem>>)
    %dma_wait3A_36 = tpu.memref_slice %arg3[%add3A_16] : memref<8192xi32, #tpu.memory_space<hbm>> -> memref<40xi32, #tpu.memory_space<hbm>>
    %dma_wait3A_37 = tpu.memref_slice %arg3[%add3A_16] : memref<8192xi32, #tpu.memory_space<hbm>> -> memref<40xi32, #tpu.memory_space<hbm>>
    tpu.wait_dma2 semaphore(%arg27 : memref<!tpu.dma_semaphore, #tpu.memory_space<semaphore_mem>>) src(%dma_wait3A_37 : memref<40xi32, #tpu.memory_space<hbm>>) dst(%arg11 : memref<40xi32, #tpu.memory_space<vmem>>)
    %dma_wait3A_38 = tpu.memref_slice %arg3[%add3A_20] : memref<8192xi32, #tpu.memory_space<hbm>> -> memref<40xi32, #tpu.memory_space<hbm>>
    %dma_wait3A_39 = tpu.memref_slice %arg3[%add3A_20] : memref<8192xi32, #tpu.memory_space<hbm>> -> memref<40xi32, #tpu.memory_space<hbm>>
    tpu.wait_dma2 semaphore(%arg27 : memref<!tpu.dma_semaphore, #tpu.memory_space<semaphore_mem>>) src(%dma_wait3A_39 : memref<40xi32, #tpu.memory_space<hbm>>) dst(%arg12 : memref<40xi32, #tpu.memory_space<vmem>>)
    %dma_wait3A_40 = tpu.memref_slice %arg3[%add3A_24] : memref<8192xi32, #tpu.memory_space<hbm>> -> memref<40xi32, #tpu.memory_space<hbm>>
    %dma_wait3A_41 = tpu.memref_slice %arg3[%add3A_24] : memref<8192xi32, #tpu.memory_space<hbm>> -> memref<40xi32, #tpu.memory_space<hbm>>
    tpu.wait_dma2 semaphore(%arg27 : memref<!tpu.dma_semaphore, #tpu.memory_space<semaphore_mem>>) src(%dma_wait3A_41 : memref<40xi32, #tpu.memory_space<hbm>>) dst(%arg13 : memref<40xi32, #tpu.memory_space<vmem>>)
    %dma_wait3A_42 = tpu.memref_slice %arg3[%add3A_28] : memref<8192xi32, #tpu.memory_space<hbm>> -> memref<16xi32, #tpu.memory_space<hbm>>
    %dma_wait3A_43 = tpu.memref_slice %arg3[%add3A_28] : memref<8192xi32, #tpu.memory_space<hbm>> -> memref<16xi32, #tpu.memory_space<hbm>>
    tpu.wait_dma2 semaphore(%arg27 : memref<!tpu.dma_semaphore, #tpu.memory_space<semaphore_mem>>) src(%dma_wait3A_43 : memref<16xi32, #tpu.memory_space<hbm>>) dst(%arg14 : memref<16xi32, #tpu.memory_space<vmem>>)
    %convert_element_type3A = arith.extui %lt3A_3 : i1 to i32
    %cond3A = arith.constant 0 : i32
    %cond3A_44 = arith.cmpi ne, %convert_element_type3A, %cond3A : i32
    scf.if %cond3A_44 {
      %dma_start3A_295 = arith.constant 0 : i32
      %dma_start3A_296 = tpu.memref_slice %arg5[%add3A, %dma_start3A_295] : memref<4x2048xi32, #tpu.memory_space<hbm>> -> memref<1x2048xi32, #tpu.memory_space<hbm>>
      %dma_start3A_297 = tpu.memref_squeeze %dma_start3A_296 : memref<1x2048xi32, #tpu.memory_space<hbm>> -> memref<2048xi32, #tpu.memory_space<hbm>>
      %dma_start3A_298 = arith.constant 0 : i32
      %dma_start3A_299 = tpu.memref_slice %arg5[%add3A, %dma_start3A_298] : memref<4x2048xi32, #tpu.memory_space<hbm>> -> memref<1x2048xi32, #tpu.memory_space<hbm>>
      %dma_start3A_300 = tpu.memref_squeeze %dma_start3A_299 : memref<1x2048xi32, #tpu.memory_space<hbm>> -> memref<2048xi32, #tpu.memory_space<hbm>>
      tpu.enqueue_dma source(%dma_start3A_300 : memref<2048xi32, #tpu.memory_space<hbm>>) target(%arg17 : memref<2048xi32, #tpu.memory_space<vmem>>) target_semaphore(%arg25 : memref<!tpu.dma_semaphore, #tpu.memory_space<semaphore_mem>>)
    } else {
    }
    %dma_start3A_45 = arith.constant 0 : i32
    %dma_start3A_46 = arith.constant 0 : i32
    %dma_start3A_47 = tpu.memref_slice %arg15[%dma_start3A_45, %dma_start3A_46] : memref<40x1536xf32, #tpu.memory_space<vmem>> -> memref<40x1536xf32, #tpu.memory_space<vmem>>
    %dma_start3A_48 = arith.constant 0 : i32
    %dma_start3A_49 = arith.constant 0 : i32
    %dma_start3A_50 = tpu.memref_slice %arg2[%dma_start3A_48, %dma_start3A_49] : memref<151936x1536xf32, #tpu.memory_space<hbm>> -> memref<151936x1536xf32, #tpu.memory_space<hbm>>
    tpu.enqueue_indirect_dma source(%dma_start3A_50 : memref<151936x1536xf32, #tpu.memory_space<hbm>>) target(%dma_start3A_47 : memref<40x1536xf32, #tpu.memory_space<vmem>>) offsets(%arg8 : memref<40xi32, #tpu.memory_space<vmem>>) semaphore(%arg21 : memref<!tpu.dma_semaphore, #tpu.memory_space<semaphore_mem>>)
    %convert_element_type3A_51 = arith.extui %lt3A_3 : i1 to i32
    %cond3A_52 = arith.constant 0 : i32
    %cond3A_53 = arith.cmpi ne, %convert_element_type3A_51, %cond3A_52 : i32
    scf.if %cond3A_53 {
      %dma_wait3A_295 = arith.constant 0 : i32
      %dma_wait3A_296 = tpu.memref_slice %arg5[%add3A, %dma_wait3A_295] : memref<4x2048xi32, #tpu.memory_space<hbm>> -> memref<1x2048xi32, #tpu.memory_space<hbm>>
      %dma_wait3A_297 = tpu.memref_squeeze %dma_wait3A_296 : memref<1x2048xi32, #tpu.memory_space<hbm>> -> memref<2048xi32, #tpu.memory_space<hbm>>
      %dma_wait3A_298 = arith.constant 0 : i32
      %dma_wait3A_299 = tpu.memref_slice %arg5[%add3A, %dma_wait3A_298] : memref<4x2048xi32, #tpu.memory_space<hbm>> -> memref<1x2048xi32, #tpu.memory_space<hbm>>
      %dma_wait3A_300 = tpu.memref_squeeze %dma_wait3A_299 : memref<1x2048xi32, #tpu.memory_space<hbm>> -> memref<2048xi32, #tpu.memory_space<hbm>>
      tpu.wait_dma2 semaphore(%arg25 : memref<!tpu.dma_semaphore, #tpu.memory_space<semaphore_mem>>) src(%dma_wait3A_300 : memref<2048xi32, #tpu.memory_space<hbm>>) dst(%arg17 : memref<2048xi32, #tpu.memory_space<vmem>>)
      %broadcast_in_dim3A = arith.constant 0 : i32
      %broadcast_in_dim3A_301 = vector.broadcast %broadcast_in_dim3A : i32 to vector<16xi32>
      %scan3A = arith.constant 0 : i32
      %scan3A_302 = arith.constant 128 : i32
      %scan3A_303 = arith.addi %scan3A, %scan3A_302 : i32
      %scan3A_304 = arith.constant 1 : i32
      %scan3A_305 = scf.for %scan3A_361 = %scan3A to %scan3A_303 step %scan3A_304 iter_args(%scan3A_362 = %broadcast_in_dim3A_301) -> (vector<16xi32>)  : i32 {
        %mul3A_363 = arith.constant 16 : i32
        %mul3A_364 = arith.muli %scan3A_361, %mul3A_363 : i32
        %multiple_of3A_365 = tpu.assume_multiple %mul3A_364, 16 : i32
        %get3A = arith.index_cast %multiple_of3A_365 : i32 to index
        %get3A_366 = tpu.vector_load %arg17[%get3A] {strides = array<i32>} : memref<2048xi32, #tpu.memory_space<vmem>>, vector<16xi32>,
        %get3A_367 = vector.shape_cast %get3A_366 : vector<16xi32> to vector<16xi32>
        %add3A_368 = arith.addi %scan3A_362, %get3A_367 : vector<16xi32>
        scf.yield %add3A_368 : vector<16xi32>
      }
      %scan3A_306 = arith.constant 128 : i32
      %slice3A = vector.extract_strided_slice %scan3A_305 {offsets = [0], sizes = [1], strides = [1]} : vector<16xi32> to vector<1xi32>
      %squeeze3A = vector.extract %slice3A[0] : i32 from vector<1xi32>
      %slice3A_307 = vector.extract_strided_slice %scan3A_305 {offsets = [1], sizes = [1], strides = [1]} : vector<16xi32> to vector<1xi32>
      %squeeze3A_308 = vector.extract %slice3A_307[0] : i32 from vector<1xi32>
      %add3A_309 = arith.addi %squeeze3A, %squeeze3A_308 : i32
      %slice3A_310 = vector.extract_strided_slice %scan3A_305 {offsets = [2], sizes = [1], strides = [1]} : vector<16xi32> to vector<1xi32>
      %squeeze3A_311 = vector.extract %slice3A_310[0] : i32 from vector<1xi32>
      %add3A_312 = arith.addi %add3A_309, %squeeze3A_311 : i32
      %slice3A_313 = vector.extract_strided_slice %scan3A_305 {offsets = [3], sizes = [1], strides = [1]} : vector<16xi32> to vector<1xi32>
      %squeeze3A_314 = vector.extract %slice3A_313[0] : i32 from vector<1xi32>
      %add3A_315 = arith.addi %add3A_312, %squeeze3A_314 : i32
      %slice3A_316 = vector.extract_strided_slice %scan3A_305 {offsets = [4], sizes = [1], strides = [1]} : vector<16xi32> to vector<1xi32>
      %squeeze3A_317 = vector.extract %slice3A_316[0] : i32 from vector<1xi32>
      %add3A_318 = arith.addi %add3A_315, %squeeze3A_317 : i32
      %slice3A_319 = vector.extract_strided_slice %scan3A_305 {offsets = [5], sizes = [1], strides = [1]} : vector<16xi32> to vector<1xi32>
      %squeeze3A_320 = vector.extract %slice3A_319[0] : i32 from vector<1xi32>
      %add3A_321 = arith.addi %add3A_318, %squeeze3A_320 : i32
      %slice3A_322 = vector.extract_strided_slice %scan3A_305 {offsets = [6], sizes = [1], strides = [1]} : vector<16xi32> to vector<1xi32>
      %squeeze3A_323 = vector.extract %slice3A_322[0] : i32 from vector<1xi32>
      %add3A_324 = arith.addi %add3A_321, %squeeze3A_323 : i32
      %slice3A_325 = vector.extract_strided_slice %scan3A_305 {offsets = [7], sizes = [1], strides = [1]} : vector<16xi32> to vector<1xi32>
      %squeeze3A_326 = vector.extract %slice3A_325[0] : i32 from vector<1xi32>
      %add3A_327 = arith.addi %add3A_324, %squeeze3A_326 : i32
      %slice3A_328 = vector.extract_strided_slice %scan3A_305 {offsets = [8], sizes = [1], strides = [1]} : vector<16xi32> to vector<1xi32>
      %squeeze3A_329 = vector.extract %slice3A_328[0] : i32 from vector<1xi32>
      %add3A_330 = arith.addi %add3A_327, %squeeze3A_329 : i32
      %slice3A_331 = vector.extract_strided_slice %scan3A_305 {offsets = [9], sizes = [1], strides = [1]} : vector<16xi32> to vector<1xi32>
      %squeeze3A_332 = vector.extract %slice3A_331[0] : i32 from vector<1xi32>
      %add3A_333 = arith.addi %add3A_330, %squeeze3A_332 : i32
      %slice3A_334 = vector.extract_strided_slice %scan3A_305 {offsets = [10], sizes = [1], strides = [1]} : vector<16xi32> to vector<1xi32>
      %squeeze3A_335 = vector.extract %slice3A_334[0] : i32 from vector<1xi32>
      %add3A_336 = arith.addi %add3A_333, %squeeze3A_335 : i32
      %slice3A_337 = vector.extract_strided_slice %scan3A_305 {offsets = [11], sizes = [1], strides = [1]} : vector<16xi32> to vector<1xi32>
      %squeeze3A_338 = vector.extract %slice3A_337[0] : i32 from vector<1xi32>
      %add3A_339 = arith.addi %add3A_336, %squeeze3A_338 : i32
      %slice3A_340 = vector.extract_strided_slice %scan3A_305 {offsets = [12], sizes = [1], strides = [1]} : vector<16xi32> to vector<1xi32>
      %squeeze3A_341 = vector.extract %slice3A_340[0] : i32 from vector<1xi32>
      %add3A_342 = arith.addi %add3A_339, %squeeze3A_341 : i32
      %slice3A_343 = vector.extract_strided_slice %scan3A_305 {offsets = [13], sizes = [1], strides = [1]} : vector<16xi32> to vector<1xi32>
      %squeeze3A_344 = vector.extract %slice3A_343[0] : i32 from vector<1xi32>
      %add3A_345 = arith.addi %add3A_342, %squeeze3A_344 : i32
      %slice3A_346 = vector.extract_strided_slice %scan3A_305 {offsets = [14], sizes = [1], strides = [1]} : vector<16xi32> to vector<1xi32>
      %squeeze3A_347 = vector.extract %slice3A_346[0] : i32 from vector<1xi32>
      %add3A_348 = arith.addi %add3A_345, %squeeze3A_347 : i32
      %slice3A_349 = vector.extract_strided_slice %scan3A_305 {offsets = [15], sizes = [1], strides = [1]} : vector<16xi32> to vector<1xi32>
      %squeeze3A_350 = vector.extract %slice3A_349[0] : i32 from vector<1xi32>
      %add3A_351 = arith.addi %add3A_348, %squeeze3A_350 : i32
      %sub3A = arith.constant 1 : i32
      %sub3A_352 = arith.subi %add3A_351, %sub3A : i32
      %swap3A = arith.constant 0 : i32
      %swap3A_353 = arith.index_cast %swap3A : i32 to index
      %swap3A_354 = memref.load %arg20[%swap3A_353] : memref<2xi32, #tpu.memory_space<smem>>
      memref.store %sub3A_352, %arg20[%swap3A_353] : memref<2xi32, #tpu.memory_space<smem>>
      %dma_start3A_355 = arith.constant 0 : i32
      %dma_start3A_356 = tpu.memref_slice %arg4[%add3A, %dma_start3A_355] : memref<4x2048xi32, #tpu.memory_space<hbm>> -> memref<1x2048xi32, #tpu.memory_space<hbm>>
      %dma_start3A_357 = tpu.memref_squeeze %dma_start3A_356 : memref<1x2048xi32, #tpu.memory_space<hbm>> -> memref<2048xi32, #tpu.memory_space<hbm>>
      %dma_start3A_358 = arith.constant 0 : i32
      %dma_start3A_359 = tpu.memref_slice %arg4[%add3A, %dma_start3A_358] : memref<4x2048xi32, #tpu.memory_space<hbm>> -> memref<1x2048xi32, #tpu.memory_space<hbm>>
      %dma_start3A_360 = tpu.memref_squeeze %dma_start3A_359 : memref<1x2048xi32, #tpu.memory_space<hbm>> -> memref<2048xi32, #tpu.memory_space<hbm>>
      tpu.enqueue_dma source(%dma_start3A_360 : memref<2048xi32, #tpu.memory_space<hbm>>) target(%arg17 : memref<2048xi32, #tpu.memory_space<vmem>>) target_semaphore(%arg25 : memref<!tpu.dma_semaphore, #tpu.memory_space<semaphore_mem>>)
    } else {
    }
    %dma_start3A_54 = arith.constant 0 : i32
    %dma_start3A_55 = arith.constant 0 : i32
    %dma_start3A_56 = tpu.memref_slice %arg16[%dma_start3A_54, %dma_start3A_55] : memref<40x1536xf32, #tpu.memory_space<vmem>> -> memref<40x1536xf32, #tpu.memory_space<vmem>>
    %dma_start3A_57 = arith.constant 0 : i32
    %dma_start3A_58 = arith.constant 0 : i32
    %dma_start3A_59 = tpu.memref_slice %arg2[%dma_start3A_57, %dma_start3A_58] : memref<151936x1536xf32, #tpu.memory_space<hbm>> -> memref<151936x1536xf32, #tpu.memory_space<hbm>>
    tpu.enqueue_indirect_dma source(%dma_start3A_59 : memref<151936x1536xf32, #tpu.memory_space<hbm>>) target(%dma_start3A_56 : memref<40x1536xf32, #tpu.memory_space<vmem>>) offsets(%arg9 : memref<40xi32, #tpu.memory_space<vmem>>) semaphore(%arg22 : memref<!tpu.dma_semaphore, #tpu.memory_space<semaphore_mem>>)
    %dma_wait3A_60 = arith.constant 0 : i32
    %dma_wait3A_61 = arith.constant 0 : i32
    %dma_wait3A_62 = tpu.memref_slice %arg15[%dma_wait3A_60, %dma_wait3A_61] : memref<40x1536xf32, #tpu.memory_space<vmem>> -> memref<40x1536xf32, #tpu.memory_space<vmem>>
    %dma_wait3A_63 = arith.constant 0 : i32
    %dma_wait3A_64 = arith.constant 0 : i32
    %dma_wait3A_65 = tpu.memref_slice %arg2[%dma_wait3A_63, %dma_wait3A_64] : memref<151936x1536xf32, #tpu.memory_space<hbm>> -> memref<151936x1536xf32, #tpu.memory_space<hbm>>
    tpu.wait_indirect_dma semaphore(%arg21 : memref<!tpu.dma_semaphore, #tpu.memory_space<semaphore_mem>>) src(%dma_wait3A_65 : memref<151936x1536xf32, #tpu.memory_space<hbm>>) dst(%dma_wait3A_62 : memref<40x1536xf32, #tpu.memory_space<vmem>>)
    %add3A_66 = arith.constant 0 : i32
    %add3A_67 = arith.addi %multiple_of3A, %add3A_66 : i32
    %dma_start3A_68 = arith.constant 0 : i32
    %dma_start3A_69 = arith.constant 0 : i32
    %dma_start3A_70 = tpu.memref_slice %arg15[%dma_start3A_68, %dma_start3A_69] : memref<40x1536xf32, #tpu.memory_space<vmem>> -> memref<40x1536xf32, #tpu.memory_space<vmem>>
    %dma_start3A_71 = arith.constant 0 : i32
    %dma_start3A_72 = tpu.memref_slice %arg6[%add3A_67, %dma_start3A_71] : memref<8192x1536xf32, #tpu.memory_space<hbm>> -> memref<40x1536xf32, #tpu.memory_space<hbm>>
    %dma_start3A_73 = arith.constant 0 : i32
    %dma_start3A_74 = tpu.memref_slice %arg6[%add3A_67, %dma_start3A_73] : memref<8192x1536xf32, #tpu.memory_space<hbm>> -> memref<40x1536xf32, #tpu.memory_space<hbm>>
    %dma_start3A_75 = arith.constant 0 : i32
    %dma_start3A_76 = arith.constant 0 : i32
    %dma_start3A_77 = tpu.memref_slice %arg15[%dma_start3A_75, %dma_start3A_76] : memref<40x1536xf32, #tpu.memory_space<vmem>> -> memref<40x1536xf32, #tpu.memory_space<vmem>>
    tpu.enqueue_dma source(%dma_start3A_77 : memref<40x1536xf32, #tpu.memory_space<vmem>>) target(%dma_start3A_74 : memref<40x1536xf32, #tpu.memory_space<hbm>>) target_semaphore(%arg23 : memref<!tpu.dma_semaphore, #tpu.memory_space<semaphore_mem>>)
    %convert_element_type3A_78 = arith.extui %lt3A_3 : i1 to i32
    %cond3A_79 = arith.constant 0 : i32
    %cond3A_80 = arith.cmpi ne, %convert_element_type3A_78, %cond3A_79 : i32
    scf.if %cond3A_80 {
      %dma_wait3A_295 = arith.constant 0 : i32
      %dma_wait3A_296 = tpu.memref_slice %arg4[%add3A, %dma_wait3A_295] : memref<4x2048xi32, #tpu.memory_space<hbm>> -> memref<1x2048xi32, #tpu.memory_space<hbm>>
      %dma_wait3A_297 = tpu.memref_squeeze %dma_wait3A_296 : memref<1x2048xi32, #tpu.memory_space<hbm>> -> memref<2048xi32, #tpu.memory_space<hbm>>
      %dma_wait3A_298 = arith.constant 0 : i32
      %dma_wait3A_299 = tpu.memref_slice %arg4[%add3A, %dma_wait3A_298] : memref<4x2048xi32, #tpu.memory_space<hbm>> -> memref<1x2048xi32, #tpu.memory_space<hbm>>
      %dma_wait3A_300 = tpu.memref_squeeze %dma_wait3A_299 : memref<1x2048xi32, #tpu.memory_space<hbm>> -> memref<2048xi32, #tpu.memory_space<hbm>>
      tpu.wait_dma2 semaphore(%arg25 : memref<!tpu.dma_semaphore, #tpu.memory_space<semaphore_mem>>) src(%dma_wait3A_300 : memref<2048xi32, #tpu.memory_space<hbm>>) dst(%arg17 : memref<2048xi32, #tpu.memory_space<vmem>>)
      %get3A = arith.constant 0 : i32
      %get3A_301 = arith.index_cast %get3A : i32 to index
      %get3A_302 = memref.load %arg20[%get3A_301] : memref<2xi32, #tpu.memory_space<smem>>
      %broadcast_in_dim3A = arith.constant -1 : i32
      %broadcast_in_dim3A_303 = vector.broadcast %broadcast_in_dim3A : i32 to vector<16xi32>
      %scan3A = arith.constant 0 : i32
      %scan3A_304 = arith.constant 128 : i32
      %scan3A_305 = arith.addi %scan3A, %scan3A_304 : i32
      %scan3A_306 = arith.constant 1 : i32
      %scan3A_307 = scf.for %scan3A_362 = %scan3A to %scan3A_305 step %scan3A_306 iter_args(%scan3A_363 = %broadcast_in_dim3A_303) -> (vector<16xi32>)  : i32 {
        %mul3A_364 = arith.constant 16 : i32
        %mul3A_365 = arith.muli %scan3A_362, %mul3A_364 : i32
        %multiple_of3A_366 = tpu.assume_multiple %mul3A_365, 16 : i32
        %get3A_367 = arith.index_cast %multiple_of3A_366 : i32 to index
        %get3A_368 = tpu.vector_load %arg17[%get3A_367] {strides = array<i32>} : memref<2048xi32, #tpu.memory_space<vmem>>, vector<16xi32>,
        %get3A_369 = vector.shape_cast %get3A_368 : vector<16xi32> to vector<16xi32>
        %iota3A = tpu.iota {dimensions = array<i32: 0>} : vector<16xi32>
        %add3A_370 = vector.broadcast %multiple_of3A_366 : i32 to vector<16xi32>
        %add3A_371 = arith.addi %iota3A, %add3A_370 : vector<16xi32>
        %eq3A = vector.broadcast %get3A_302 : i32 to vector<16xi32>
        %eq3A_372 = arith.cmpi eq, %add3A_371, %eq3A : vector<16xi32>
        %jit3A = arith.constant -1 : i32
        %broadcast_in_dim3A_373 = vector.broadcast %jit3A : i32 to vector<16xi32>
        %select_n3A = arith.select %eq3A_372, %get3A_369, %broadcast_in_dim3A_373 : vector<16xi1>, vector<16xi32>
        %max3A_374 = arith.maxsi %scan3A_363, %select_n3A : vector<16xi32>
        scf.yield %max3A_374 : vector<16xi32>
      }
      %scan3A_308 = arith.constant 128 : i32
      %slice3A = vector.extract_strided_slice %scan3A_307 {offsets = [0], sizes = [1], strides = [1]} : vector<16xi32> to vector<1xi32>
      %squeeze3A = vector.extract %slice3A[0] : i32 from vector<1xi32>
      %slice3A_309 = vector.extract_strided_slice %scan3A_307 {offsets = [1], sizes = [1], strides = [1]} : vector<16xi32> to vector<1xi32>
      %squeeze3A_310 = vector.extract %slice3A_309[0] : i32 from vector<1xi32>
      %max3A = arith.maxsi %squeeze3A, %squeeze3A_310 : i32
      %slice3A_311 = vector.extract_strided_slice %scan3A_307 {offsets = [2], sizes = [1], strides = [1]} : vector<16xi32> to vector<1xi32>
      %squeeze3A_312 = vector.extract %slice3A_311[0] : i32 from vector<1xi32>
      %max3A_313 = arith.maxsi %max3A, %squeeze3A_312 : i32
      %slice3A_314 = vector.extract_strided_slice %scan3A_307 {offsets = [3], sizes = [1], strides = [1]} : vector<16xi32> to vector<1xi32>
      %squeeze3A_315 = vector.extract %slice3A_314[0] : i32 from vector<1xi32>
      %max3A_316 = arith.maxsi %max3A_313, %squeeze3A_315 : i32
      %slice3A_317 = vector.extract_strided_slice %scan3A_307 {offsets = [4], sizes = [1], strides = [1]} : vector<16xi32> to vector<1xi32>
      %squeeze3A_318 = vector.extract %slice3A_317[0] : i32 from vector<1xi32>
      %max3A_319 = arith.maxsi %max3A_316, %squeeze3A_318 : i32
      %slice3A_320 = vector.extract_strided_slice %scan3A_307 {offsets = [5], sizes = [1], strides = [1]} : vector<16xi32> to vector<1xi32>
      %squeeze3A_321 = vector.extract %slice3A_320[0] : i32 from vector<1xi32>
      %max3A_322 = arith.maxsi %max3A_319, %squeeze3A_321 : i32
      %slice3A_323 = vector.extract_strided_slice %scan3A_307 {offsets = [6], sizes = [1], strides = [1]} : vector<16xi32> to vector<1xi32>
      %squeeze3A_324 = vector.extract %slice3A_323[0] : i32 from vector<1xi32>
      %max3A_325 = arith.maxsi %max3A_322, %squeeze3A_324 : i32
      %slice3A_326 = vector.extract_strided_slice %scan3A_307 {offsets = [7], sizes = [1], strides = [1]} : vector<16xi32> to vector<1xi32>
      %squeeze3A_327 = vector.extract %slice3A_326[0] : i32 from vector<1xi32>
      %max3A_328 = arith.maxsi %max3A_325, %squeeze3A_327 : i32
      %slice3A_329 = vector.extract_strided_slice %scan3A_307 {offsets = [8], sizes = [1], strides = [1]} : vector<16xi32> to vector<1xi32>
      %squeeze3A_330 = vector.extract %slice3A_329[0] : i32 from vector<1xi32>
      %max3A_331 = arith.maxsi %max3A_328, %squeeze3A_330 : i32
      %slice3A_332 = vector.extract_strided_slice %scan3A_307 {offsets = [9], sizes = [1], strides = [1]} : vector<16xi32> to vector<1xi32>
      %squeeze3A_333 = vector.extract %slice3A_332[0] : i32 from vector<1xi32>
      %max3A_334 = arith.maxsi %max3A_331, %squeeze3A_333 : i32
      %slice3A_335 = vector.extract_strided_slice %scan3A_307 {offsets = [10], sizes = [1], strides = [1]} : vector<16xi32> to vector<1xi32>
      %squeeze3A_336 = vector.extract %slice3A_335[0] : i32 from vector<1xi32>
      %max3A_337 = arith.maxsi %max3A_334, %squeeze3A_336 : i32
      %slice3A_338 = vector.extract_strided_slice %scan3A_307 {offsets = [11], sizes = [1], strides = [1]} : vector<16xi32> to vector<1xi32>
      %squeeze3A_339 = vector.extract %slice3A_338[0] : i32 from vector<1xi32>
      %max3A_340 = arith.maxsi %max3A_337, %squeeze3A_339 : i32
      %slice3A_341 = vector.extract_strided_slice %scan3A_307 {offsets = [12], sizes = [1], strides = [1]} : vector<16xi32> to vector<1xi32>
      %squeeze3A_342 = vector.extract %slice3A_341[0] : i32 from vector<1xi32>
      %max3A_343 = arith.maxsi %max3A_340, %squeeze3A_342 : i32
      %slice3A_344 = vector.extract_strided_slice %scan3A_307 {offsets = [13], sizes = [1], strides = [1]} : vector<16xi32> to vector<1xi32>
      %squeeze3A_345 = vector.extract %slice3A_344[0] : i32 from vector<1xi32>
      %max3A_346 = arith.maxsi %max3A_343, %squeeze3A_345 : i32
      %slice3A_347 = vector.extract_strided_slice %scan3A_307 {offsets = [14], sizes = [1], strides = [1]} : vector<16xi32> to vector<1xi32>
      %squeeze3A_348 = vector.extract %slice3A_347[0] : i32 from vector<1xi32>
      %max3A_349 = arith.maxsi %max3A_346, %squeeze3A_348 : i32
      %slice3A_350 = vector.extract_strided_slice %scan3A_307 {offsets = [15], sizes = [1], strides = [1]} : vector<16xi32> to vector<1xi32>
      %squeeze3A_351 = vector.extract %slice3A_350[0] : i32 from vector<1xi32>
      %max3A_352 = arith.maxsi %max3A_349, %squeeze3A_351 : i32
      %broadcast_in_dim3A_353 = vector.broadcast %max3A_352 : i32 to vector<16xi32>
      %swap3A = arith.constant 0 : index
      %swap3A_354 = tpu.vector_load %arg18[%swap3A] {strides = array<i32>} : memref<16xi32, #tpu.memory_space<vmem>>, vector<16xi32>,
      %swap3A_355 = vector.shape_cast %swap3A_354 : vector<16xi32> to vector<16xi32>
      %swap3A_356 = vector.shape_cast %broadcast_in_dim3A_353 : vector<16xi32> to vector<16xi32>
      tpu.vector_store %arg18[%swap3A], %swap3A_356 {strides = array<i32>} : memref<16xi32, #tpu.memory_space<vmem>>, vector<16xi32>,
      %dma_start3A_357 = arith.constant 0 : i32
      %dma_start3A_358 = tpu.memref_slice %arg18[%dma_start3A_357] : memref<16xi32, #tpu.memory_space<vmem>> -> memref<1xi32, #tpu.memory_space<vmem>>
      %dma_start3A_359 = arith.constant 0 : i32
      %dma_start3A_360 = arith.constant 0 : i32
      %dma_start3A_361 = tpu.memref_slice %arg2[%dma_start3A_359, %dma_start3A_360] : memref<151936x1536xf32, #tpu.memory_space<hbm>> -> memref<151936x1536xf32, #tpu.memory_space<hbm>>
      tpu.enqueue_indirect_dma source(%dma_start3A_361 : memref<151936x1536xf32, #tpu.memory_space<hbm>>) target(%arg19 : memref<1x1536xf32, #tpu.memory_space<vmem>>) offsets(%dma_start3A_358 : memref<1xi32, #tpu.memory_space<vmem>>) semaphore(%arg26 : memref<!tpu.dma_semaphore, #tpu.memory_space<semaphore_mem>>)
    } else {
    }
    %dma_wait3A_81 = arith.constant 0 : i32
    %dma_wait3A_82 = arith.constant 0 : i32
    %dma_wait3A_83 = tpu.memref_slice %arg15[%dma_wait3A_81, %dma_wait3A_82] : memref<40x1536xf32, #tpu.memory_space<vmem>> -> memref<40x1536xf32, #tpu.memory_space<vmem>>
    %dma_wait3A_84 = arith.constant 0 : i32
    %dma_wait3A_85 = tpu.memref_slice %arg6[%add3A_67, %dma_wait3A_84] : memref<8192x1536xf32, #tpu.memory_space<hbm>> -> memref<40x1536xf32, #tpu.memory_space<hbm>>
    %dma_wait3A_86 = arith.constant 0 : i32
    %dma_wait3A_87 = tpu.memref_slice %arg6[%add3A_67, %dma_wait3A_86] : memref<8192x1536xf32, #tpu.memory_space<hbm>> -> memref<40x1536xf32, #tpu.memory_space<hbm>>
    %dma_wait3A_88 = arith.constant 0 : i32
    %dma_wait3A_89 = arith.constant 0 : i32
    %dma_wait3A_90 = tpu.memref_slice %arg15[%dma_wait3A_88, %dma_wait3A_89] : memref<40x1536xf32, #tpu.memory_space<vmem>> -> memref<40x1536xf32, #tpu.memory_space<vmem>>
    tpu.wait_dma2 semaphore(%arg23 : memref<!tpu.dma_semaphore, #tpu.memory_space<semaphore_mem>>) src(%dma_wait3A_90 : memref<40x1536xf32, #tpu.memory_space<vmem>>) dst(%dma_wait3A_87 : memref<40x1536xf32, #tpu.memory_space<hbm>>)
    %dma_start3A_91 = arith.constant 0 : i32
    %dma_start3A_92 = arith.constant 0 : i32
    %dma_start3A_93 = tpu.memref_slice %arg15[%dma_start3A_91, %dma_start3A_92] : memref<40x1536xf32, #tpu.memory_space<vmem>> -> memref<40x1536xf32, #tpu.memory_space<vmem>>
    %dma_start3A_94 = arith.constant 0 : i32
    %dma_start3A_95 = arith.constant 0 : i32
    %dma_start3A_96 = tpu.memref_slice %arg2[%dma_start3A_94, %dma_start3A_95] : memref<151936x1536xf32, #tpu.memory_space<hbm>> -> memref<151936x1536xf32, #tpu.memory_space<hbm>>
    tpu.enqueue_indirect_dma source(%dma_start3A_96 : memref<151936x1536xf32, #tpu.memory_space<hbm>>) target(%dma_start3A_93 : memref<40x1536xf32, #tpu.memory_space<vmem>>) offsets(%arg10 : memref<40xi32, #tpu.memory_space<vmem>>) semaphore(%arg21 : memref<!tpu.dma_semaphore, #tpu.memory_space<semaphore_mem>>)
    %dma_wait3A_97 = arith.constant 0 : i32
    %dma_wait3A_98 = arith.constant 0 : i32
    %dma_wait3A_99 = tpu.memref_slice %arg16[%dma_wait3A_97, %dma_wait3A_98] : memref<40x1536xf32, #tpu.memory_space<vmem>> -> memref<40x1536xf32, #tpu.memory_space<vmem>>
    %dma_wait3A_100 = arith.constant 0 : i32
    %dma_wait3A_101 = arith.constant 0 : i32
    %dma_wait3A_102 = tpu.memref_slice %arg2[%dma_wait3A_100, %dma_wait3A_101] : memref<151936x1536xf32, #tpu.memory_space<hbm>> -> memref<151936x1536xf32, #tpu.memory_space<hbm>>
    tpu.wait_indirect_dma semaphore(%arg22 : memref<!tpu.dma_semaphore, #tpu.memory_space<semaphore_mem>>) src(%dma_wait3A_102 : memref<151936x1536xf32, #tpu.memory_space<hbm>>) dst(%dma_wait3A_99 : memref<40x1536xf32, #tpu.memory_space<vmem>>)
    %add3A_103 = arith.constant 40 : i32
    %add3A_104 = arith.addi %multiple_of3A, %add3A_103 : i32
    %dma_start3A_105 = arith.constant 0 : i32
    %dma_start3A_106 = arith.constant 0 : i32
    %dma_start3A_107 = tpu.memref_slice %arg16[%dma_start3A_105, %dma_start3A_106] : memref<40x1536xf32, #tpu.memory_space<vmem>> -> memref<40x1536xf32, #tpu.memory_space<vmem>>
    %dma_start3A_108 = arith.constant 0 : i32
    %dma_start3A_109 = tpu.memref_slice %arg6[%add3A_104, %dma_start3A_108] : memref<8192x1536xf32, #tpu.memory_space<hbm>> -> memref<40x1536xf32, #tpu.memory_space<hbm>>
    %dma_start3A_110 = arith.constant 0 : i32
    %dma_start3A_111 = tpu.memref_slice %arg6[%add3A_104, %dma_start3A_110] : memref<8192x1536xf32, #tpu.memory_space<hbm>> -> memref<40x1536xf32, #tpu.memory_space<hbm>>
    %dma_start3A_112 = arith.constant 0 : i32
    %dma_start3A_113 = arith.constant 0 : i32
    %dma_start3A_114 = tpu.memref_slice %arg16[%dma_start3A_112, %dma_start3A_113] : memref<40x1536xf32, #tpu.memory_space<vmem>> -> memref<40x1536xf32, #tpu.memory_space<vmem>>
    tpu.enqueue_dma source(%dma_start3A_114 : memref<40x1536xf32, #tpu.memory_space<vmem>>) target(%dma_start3A_111 : memref<40x1536xf32, #tpu.memory_space<hbm>>) target_semaphore(%arg24 : memref<!tpu.dma_semaphore, #tpu.memory_space<semaphore_mem>>)
    %convert_element_type3A_115 = arith.extui %lt3A_3 : i1 to i32
    %cond3A_116 = arith.constant 0 : i32
    %cond3A_117 = arith.cmpi ne, %convert_element_type3A_115, %cond3A_116 : i32
    scf.if %cond3A_117 {
      %dma_wait3A_295 = arith.constant 0 : i32
      %dma_wait3A_296 = tpu.memref_slice %arg18[%dma_wait3A_295] : memref<16xi32, #tpu.memory_space<vmem>> -> memref<1xi32, #tpu.memory_space<vmem>>
      %dma_wait3A_297 = arith.constant 0 : i32
      %dma_wait3A_298 = arith.constant 0 : i32
      %dma_wait3A_299 = tpu.memref_slice %arg2[%dma_wait3A_297, %dma_wait3A_298] : memref<151936x1536xf32, #tpu.memory_space<hbm>> -> memref<151936x1536xf32, #tpu.memory_space<hbm>>
      tpu.wait_indirect_dma semaphore(%arg26 : memref<!tpu.dma_semaphore, #tpu.memory_space<semaphore_mem>>) src(%dma_wait3A_299 : memref<151936x1536xf32, #tpu.memory_space<hbm>>) dst(%arg19 : memref<1x1536xf32, #tpu.memory_space<vmem>>)
      %dma_start3A_300 = arith.constant 0 : i32
      %dma_start3A_301 = arith.constant 0 : i32
      %dma_start3A_302 = tpu.memref_slice %arg19[%dma_start3A_300, %dma_start3A_301] : memref<1x1536xf32, #tpu.memory_space<vmem>> -> memref<1x1536xf32, #tpu.memory_space<vmem>>
      %dma_start3A_303 = tpu.memref_squeeze %dma_start3A_302 : memref<1x1536xf32, #tpu.memory_space<vmem>> -> memref<1536xf32, #tpu.memory_space<vmem>>
      %dma_start3A_304 = arith.constant 0 : i32
      %dma_start3A_305 = tpu.memref_slice %arg7[%add3A, %dma_start3A_304] : memref<4x1536xf32, #tpu.memory_space<hbm>> -> memref<1x1536xf32, #tpu.memory_space<hbm>>
      %dma_start3A_306 = tpu.memref_squeeze %dma_start3A_305 : memref<1x1536xf32, #tpu.memory_space<hbm>> -> memref<1536xf32, #tpu.memory_space<hbm>>
      %dma_start3A_307 = arith.constant 0 : i32
      %dma_start3A_308 = tpu.memref_slice %arg7[%add3A, %dma_start3A_307] : memref<4x1536xf32, #tpu.memory_space<hbm>> -> memref<1x1536xf32, #tpu.memory_space<hbm>>
      %dma_start3A_309 = tpu.memref_squeeze %dma_start3A_308 : memref<1x1536xf32, #tpu.memory_space<hbm>> -> memref<1536xf32, #tpu.memory_space<hbm>>
      %dma_start3A_310 = arith.constant 0 : i32
      %dma_start3A_311 = tpu.memref_slice %arg19[%dma_start3A_300, %dma_start3A_310] : memref<1x1536xf32, #tpu.memory_space<vmem>> -> memref<1x1536xf32, #tpu.memory_space<vmem>>
      %dma_start3A_312 = tpu.memref_squeeze %dma_start3A_311 : memref<1x1536xf32, #tpu.memory_space<vmem>> -> memref<1536xf32, #tpu.memory_space<vmem>>
      tpu.enqueue_dma source(%dma_start3A_312 : memref<1536xf32, #tpu.memory_space<vmem>>) target(%dma_start3A_309 : memref<1536xf32, #tpu.memory_space<hbm>>) target_semaphore(%arg25 : memref<!tpu.dma_semaphore, #tpu.memory_space<semaphore_mem>>)
    } else {
    }
    %dma_wait3A_118 = arith.constant 0 : i32
    %dma_wait3A_119 = arith.constant 0 : i32
    %dma_wait3A_120 = tpu.memref_slice %arg16[%dma_wait3A_118, %dma_wait3A_119] : memref<40x1536xf32, #tpu.memory_space<vmem>> -> memref<40x1536xf32, #tpu.memory_space<vmem>>
    %dma_wait3A_121 = arith.constant 0 : i32
    %dma_wait3A_122 = tpu.memref_slice %arg6[%add3A_104, %dma_wait3A_121] : memref<8192x1536xf32, #tpu.memory_space<hbm>> -> memref<40x1536xf32, #tpu.memory_space<hbm>>
    %dma_wait3A_123 = arith.constant 0 : i32
    %dma_wait3A_124 = tpu.memref_slice %arg6[%add3A_104, %dma_wait3A_123] : memref<8192x1536xf32, #tpu.memory_space<hbm>> -> memref<40x1536xf32, #tpu.memory_space<hbm>>
    %dma_wait3A_125 = arith.constant 0 : i32
    %dma_wait3A_126 = arith.constant 0 : i32
    %dma_wait3A_127 = tpu.memref_slice %arg16[%dma_wait3A_125, %dma_wait3A_126] : memref<40x1536xf32, #tpu.memory_space<vmem>> -> memref<40x1536xf32, #tpu.memory_space<vmem>>
    tpu.wait_dma2 semaphore(%arg24 : memref<!tpu.dma_semaphore, #tpu.memory_space<semaphore_mem>>) src(%dma_wait3A_127 : memref<40x1536xf32, #tpu.memory_space<vmem>>) dst(%dma_wait3A_124 : memref<40x1536xf32, #tpu.memory_space<hbm>>)
    %dma_start3A_128 = arith.constant 0 : i32
    %dma_start3A_129 = arith.constant 0 : i32
    %dma_start3A_130 = tpu.memref_slice %arg16[%dma_start3A_128, %dma_start3A_129] : memref<40x1536xf32, #tpu.memory_space<vmem>> -> memref<40x1536xf32, #tpu.memory_space<vmem>>
    %dma_start3A_131 = arith.constant 0 : i32
    %dma_start3A_132 = arith.constant 0 : i32
    %dma_start3A_133 = tpu.memref_slice %arg2[%dma_start3A_131, %dma_start3A_132] : memref<151936x1536xf32, #tpu.memory_space<hbm>> -> memref<151936x1536xf32, #tpu.memory_space<hbm>>
    tpu.enqueue_indirect_dma source(%dma_start3A_133 : memref<151936x1536xf32, #tpu.memory_space<hbm>>) target(%dma_start3A_130 : memref<40x1536xf32, #tpu.memory_space<vmem>>) offsets(%arg11 : memref<40xi32, #tpu.memory_space<vmem>>) semaphore(%arg22 : memref<!tpu.dma_semaphore, #tpu.memory_space<semaphore_mem>>)
    %dma_wait3A_134 = arith.constant 0 : i32
    %dma_wait3A_135 = arith.constant 0 : i32
    %dma_wait3A_136 = tpu.memref_slice %arg15[%dma_wait3A_134, %dma_wait3A_135] : memref<40x1536xf32, #tpu.memory_space<vmem>> -> memref<40x1536xf32, #tpu.memory_space<vmem>>
    %dma_wait3A_137 = arith.constant 0 : i32
    %dma_wait3A_138 = arith.constant 0 : i32
    %dma_wait3A_139 = tpu.memref_slice %arg2[%dma_wait3A_137, %dma_wait3A_138] : memref<151936x1536xf32, #tpu.memory_space<hbm>> -> memref<151936x1536xf32, #tpu.memory_space<hbm>>
    tpu.wait_indirect_dma semaphore(%arg21 : memref<!tpu.dma_semaphore, #tpu.memory_space<semaphore_mem>>) src(%dma_wait3A_139 : memref<151936x1536xf32, #tpu.memory_space<hbm>>) dst(%dma_wait3A_136 : memref<40x1536xf32, #tpu.memory_space<vmem>>)
    %add3A_140 = arith.constant 80 : i32
    %add3A_141 = arith.addi %multiple_of3A, %add3A_140 : i32
    %dma_start3A_142 = arith.constant 0 : i32
    %dma_start3A_143 = arith.constant 0 : i32
    %dma_start3A_144 = tpu.memref_slice %arg15[%dma_start3A_142, %dma_start3A_143] : memref<40x1536xf32, #tpu.memory_space<vmem>> -> memref<40x1536xf32, #tpu.memory_space<vmem>>
    %dma_start3A_145 = arith.constant 0 : i32
    %dma_start3A_146 = tpu.memref_slice %arg6[%add3A_141, %dma_start3A_145] : memref<8192x1536xf32, #tpu.memory_space<hbm>> -> memref<40x1536xf32, #tpu.memory_space<hbm>>
    %dma_start3A_147 = arith.constant 0 : i32
    %dma_start3A_148 = tpu.memref_slice %arg6[%add3A_141, %dma_start3A_147] : memref<8192x1536xf32, #tpu.memory_space<hbm>> -> memref<40x1536xf32, #tpu.memory_space<hbm>>
    %dma_start3A_149 = arith.constant 0 : i32
    %dma_start3A_150 = arith.constant 0 : i32
    %dma_start3A_151 = tpu.memref_slice %arg15[%dma_start3A_149, %dma_start3A_150] : memref<40x1536xf32, #tpu.memory_space<vmem>> -> memref<40x1536xf32, #tpu.memory_space<vmem>>
    tpu.enqueue_dma source(%dma_start3A_151 : memref<40x1536xf32, #tpu.memory_space<vmem>>) target(%dma_start3A_148 : memref<40x1536xf32, #tpu.memory_space<hbm>>) target_semaphore(%arg23 : memref<!tpu.dma_semaphore, #tpu.memory_space<semaphore_mem>>)
    %dma_wait3A_152 = arith.constant 0 : i32
    %dma_wait3A_153 = arith.constant 0 : i32
    %dma_wait3A_154 = tpu.memref_slice %arg15[%dma_wait3A_152, %dma_wait3A_153] : memref<40x1536xf32, #tpu.memory_space<vmem>> -> memref<40x1536xf32, #tpu.memory_space<vmem>>
    %dma_wait3A_155 = arith.constant 0 : i32
    %dma_wait3A_156 = tpu.memref_slice %arg6[%add3A_141, %dma_wait3A_155] : memref<8192x1536xf32, #tpu.memory_space<hbm>> -> memref<40x1536xf32, #tpu.memory_space<hbm>>
    %dma_wait3A_157 = arith.constant 0 : i32
    %dma_wait3A_158 = tpu.memref_slice %arg6[%add3A_141, %dma_wait3A_157] : memref<8192x1536xf32, #tpu.memory_space<hbm>> -> memref<40x1536xf32, #tpu.memory_space<hbm>>
    %dma_wait3A_159 = arith.constant 0 : i32
    %dma_wait3A_160 = arith.constant 0 : i32
    %dma_wait3A_161 = tpu.memref_slice %arg15[%dma_wait3A_159, %dma_wait3A_160] : memref<40x1536xf32, #tpu.memory_space<vmem>> -> memref<40x1536xf32, #tpu.memory_space<vmem>>
    tpu.wait_dma2 semaphore(%arg23 : memref<!tpu.dma_semaphore, #tpu.memory_space<semaphore_mem>>) src(%dma_wait3A_161 : memref<40x1536xf32, #tpu.memory_space<vmem>>) dst(%dma_wait3A_158 : memref<40x1536xf32, #tpu.memory_space<hbm>>)
    %dma_start3A_162 = arith.constant 0 : i32
    %dma_start3A_163 = arith.constant 0 : i32
    %dma_start3A_164 = tpu.memref_slice %arg15[%dma_start3A_162, %dma_start3A_163] : memref<40x1536xf32, #tpu.memory_space<vmem>> -> memref<40x1536xf32, #tpu.memory_space<vmem>>
    %dma_start3A_165 = arith.constant 0 : i32
    %dma_start3A_166 = arith.constant 0 : i32
    %dma_start3A_167 = tpu.memref_slice %arg2[%dma_start3A_165, %dma_start3A_166] : memref<151936x1536xf32, #tpu.memory_space<hbm>> -> memref<151936x1536xf32, #tpu.memory_space<hbm>>
    tpu.enqueue_indirect_dma source(%dma_start3A_167 : memref<151936x1536xf32, #tpu.memory_space<hbm>>) target(%dma_start3A_164 : memref<40x1536xf32, #tpu.memory_space<vmem>>) offsets(%arg12 : memref<40xi32, #tpu.memory_space<vmem>>) semaphore(%arg21 : memref<!tpu.dma_semaphore, #tpu.memory_space<semaphore_mem>>)
    %dma_wait3A_168 = arith.constant 0 : i32
    %dma_wait3A_169 = arith.constant 0 : i32
    %dma_wait3A_170 = tpu.memref_slice %arg16[%dma_wait3A_168, %dma_wait3A_169] : memref<40x1536xf32, #tpu.memory_space<vmem>> -> memref<40x1536xf32, #tpu.memory_space<vmem>>
    %dma_wait3A_171 = arith.constant 0 : i32
    %dma_wait3A_172 = arith.constant 0 : i32
    %dma_wait3A_173 = tpu.memref_slice %arg2[%dma_wait3A_171, %dma_wait3A_172] : memref<151936x1536xf32, #tpu.memory_space<hbm>> -> memref<151936x1536xf32, #tpu.memory_space<hbm>>
    tpu.wait_indirect_dma semaphore(%arg22 : memref<!tpu.dma_semaphore, #tpu.memory_space<semaphore_mem>>) src(%dma_wait3A_173 : memref<151936x1536xf32, #tpu.memory_space<hbm>>) dst(%dma_wait3A_170 : memref<40x1536xf32, #tpu.memory_space<vmem>>)
    %add3A_174 = arith.constant 120 : i32
    %add3A_175 = arith.addi %multiple_of3A, %add3A_174 : i32
    %dma_start3A_176 = arith.constant 0 : i32
    %dma_start3A_177 = arith.constant 0 : i32
    %dma_start3A_178 = tpu.memref_slice %arg16[%dma_start3A_176, %dma_start3A_177] : memref<40x1536xf32, #tpu.memory_space<vmem>> -> memref<40x1536xf32, #tpu.memory_space<vmem>>
    %dma_start3A_179 = arith.constant 0 : i32
    %dma_start3A_180 = tpu.memref_slice %arg6[%add3A_175, %dma_start3A_179] : memref<8192x1536xf32, #tpu.memory_space<hbm>> -> memref<40x1536xf32, #tpu.memory_space<hbm>>
    %dma_start3A_181 = arith.constant 0 : i32
    %dma_start3A_182 = tpu.memref_slice %arg6[%add3A_175, %dma_start3A_181] : memref<8192x1536xf32, #tpu.memory_space<hbm>> -> memref<40x1536xf32, #tpu.memory_space<hbm>>
    %dma_start3A_183 = arith.constant 0 : i32
    %dma_start3A_184 = arith.constant 0 : i32
    %dma_start3A_185 = tpu.memref_slice %arg16[%dma_start3A_183, %dma_start3A_184] : memref<40x1536xf32, #tpu.memory_space<vmem>> -> memref<40x1536xf32, #tpu.memory_space<vmem>>
    tpu.enqueue_dma source(%dma_start3A_185 : memref<40x1536xf32, #tpu.memory_space<vmem>>) target(%dma_start3A_182 : memref<40x1536xf32, #tpu.memory_space<hbm>>) target_semaphore(%arg24 : memref<!tpu.dma_semaphore, #tpu.memory_space<semaphore_mem>>)
    %dma_wait3A_186 = arith.constant 0 : i32
    %dma_wait3A_187 = arith.constant 0 : i32
    %dma_wait3A_188 = tpu.memref_slice %arg16[%dma_wait3A_186, %dma_wait3A_187] : memref<40x1536xf32, #tpu.memory_space<vmem>> -> memref<40x1536xf32, #tpu.memory_space<vmem>>
    %dma_wait3A_189 = arith.constant 0 : i32
    %dma_wait3A_190 = tpu.memref_slice %arg6[%add3A_175, %dma_wait3A_189] : memref<8192x1536xf32, #tpu.memory_space<hbm>> -> memref<40x1536xf32, #tpu.memory_space<hbm>>
    %dma_wait3A_191 = arith.constant 0 : i32
    %dma_wait3A_192 = tpu.memref_slice %arg6[%add3A_175, %dma_wait3A_191] : memref<8192x1536xf32, #tpu.memory_space<hbm>> -> memref<40x1536xf32, #tpu.memory_space<hbm>>
    %dma_wait3A_193 = arith.constant 0 : i32
    %dma_wait3A_194 = arith.constant 0 : i32
    %dma_wait3A_195 = tpu.memref_slice %arg16[%dma_wait3A_193, %dma_wait3A_194] : memref<40x1536xf32, #tpu.memory_space<vmem>> -> memref<40x1536xf32, #tpu.memory_space<vmem>>
    tpu.wait_dma2 semaphore(%arg24 : memref<!tpu.dma_semaphore, #tpu.memory_space<semaphore_mem>>) src(%dma_wait3A_195 : memref<40x1536xf32, #tpu.memory_space<vmem>>) dst(%dma_wait3A_192 : memref<40x1536xf32, #tpu.memory_space<hbm>>)
    %dma_start3A_196 = arith.constant 0 : i32
    %dma_start3A_197 = arith.constant 0 : i32
    %dma_start3A_198 = tpu.memref_slice %arg16[%dma_start3A_196, %dma_start3A_197] : memref<40x1536xf32, #tpu.memory_space<vmem>> -> memref<40x1536xf32, #tpu.memory_space<vmem>>
    %dma_start3A_199 = arith.constant 0 : i32
    %dma_start3A_200 = arith.constant 0 : i32
    %dma_start3A_201 = tpu.memref_slice %arg2[%dma_start3A_199, %dma_start3A_200] : memref<151936x1536xf32, #tpu.memory_space<hbm>> -> memref<151936x1536xf32, #tpu.memory_space<hbm>>
    tpu.enqueue_indirect_dma source(%dma_start3A_201 : memref<151936x1536xf32, #tpu.memory_space<hbm>>) target(%dma_start3A_198 : memref<40x1536xf32, #tpu.memory_space<vmem>>) offsets(%arg13 : memref<40xi32, #tpu.memory_space<vmem>>) semaphore(%arg22 : memref<!tpu.dma_semaphore, #tpu.memory_space<semaphore_mem>>)
    %dma_wait3A_202 = arith.constant 0 : i32
    %dma_wait3A_203 = arith.constant 0 : i32
    %dma_wait3A_204 = tpu.memref_slice %arg15[%dma_wait3A_202, %dma_wait3A_203] : memref<40x1536xf32, #tpu.memory_space<vmem>> -> memref<40x1536xf32, #tpu.memory_space<vmem>>
    %dma_wait3A_205 = arith.constant 0 : i32
    %dma_wait3A_206 = arith.constant 0 : i32
    %dma_wait3A_207 = tpu.memref_slice %arg2[%dma_wait3A_205, %dma_wait3A_206] : memref<151936x1536xf32, #tpu.memory_space<hbm>> -> memref<151936x1536xf32, #tpu.memory_space<hbm>>
    tpu.wait_indirect_dma semaphore(%arg21 : memref<!tpu.dma_semaphore, #tpu.memory_space<semaphore_mem>>) src(%dma_wait3A_207 : memref<151936x1536xf32, #tpu.memory_space<hbm>>) dst(%dma_wait3A_204 : memref<40x1536xf32, #tpu.memory_space<vmem>>)
    %add3A_208 = arith.constant 160 : i32
    %add3A_209 = arith.addi %multiple_of3A, %add3A_208 : i32
    %dma_start3A_210 = arith.constant 0 : i32
    %dma_start3A_211 = arith.constant 0 : i32
    %dma_start3A_212 = tpu.memref_slice %arg15[%dma_start3A_210, %dma_start3A_211] : memref<40x1536xf32, #tpu.memory_space<vmem>> -> memref<40x1536xf32, #tpu.memory_space<vmem>>
    %dma_start3A_213 = arith.constant 0 : i32
    %dma_start3A_214 = tpu.memref_slice %arg6[%add3A_209, %dma_start3A_213] : memref<8192x1536xf32, #tpu.memory_space<hbm>> -> memref<40x1536xf32, #tpu.memory_space<hbm>>
    %dma_start3A_215 = arith.constant 0 : i32
    %dma_start3A_216 = tpu.memref_slice %arg6[%add3A_209, %dma_start3A_215] : memref<8192x1536xf32, #tpu.memory_space<hbm>> -> memref<40x1536xf32, #tpu.memory_space<hbm>>
    %dma_start3A_217 = arith.constant 0 : i32
    %dma_start3A_218 = arith.constant 0 : i32
    %dma_start3A_219 = tpu.memref_slice %arg15[%dma_start3A_217, %dma_start3A_218] : memref<40x1536xf32, #tpu.memory_space<vmem>> -> memref<40x1536xf32, #tpu.memory_space<vmem>>
    tpu.enqueue_dma source(%dma_start3A_219 : memref<40x1536xf32, #tpu.memory_space<vmem>>) target(%dma_start3A_216 : memref<40x1536xf32, #tpu.memory_space<hbm>>) target_semaphore(%arg23 : memref<!tpu.dma_semaphore, #tpu.memory_space<semaphore_mem>>)
    %dma_wait3A_220 = arith.constant 0 : i32
    %dma_wait3A_221 = arith.constant 0 : i32
    %dma_wait3A_222 = tpu.memref_slice %arg15[%dma_wait3A_220, %dma_wait3A_221] : memref<40x1536xf32, #tpu.memory_space<vmem>> -> memref<40x1536xf32, #tpu.memory_space<vmem>>
    %dma_wait3A_223 = arith.constant 0 : i32
    %dma_wait3A_224 = tpu.memref_slice %arg6[%add3A_209, %dma_wait3A_223] : memref<8192x1536xf32, #tpu.memory_space<hbm>> -> memref<40x1536xf32, #tpu.memory_space<hbm>>
    %dma_wait3A_225 = arith.constant 0 : i32
    %dma_wait3A_226 = tpu.memref_slice %arg6[%add3A_209, %dma_wait3A_225] : memref<8192x1536xf32, #tpu.memory_space<hbm>> -> memref<40x1536xf32, #tpu.memory_space<hbm>>
    %dma_wait3A_227 = arith.constant 0 : i32
    %dma_wait3A_228 = arith.constant 0 : i32
    %dma_wait3A_229 = tpu.memref_slice %arg15[%dma_wait3A_227, %dma_wait3A_228] : memref<40x1536xf32, #tpu.memory_space<vmem>> -> memref<40x1536xf32, #tpu.memory_space<vmem>>
    tpu.wait_dma2 semaphore(%arg23 : memref<!tpu.dma_semaphore, #tpu.memory_space<semaphore_mem>>) src(%dma_wait3A_229 : memref<40x1536xf32, #tpu.memory_space<vmem>>) dst(%dma_wait3A_226 : memref<40x1536xf32, #tpu.memory_space<hbm>>)
    %dma_start3A_230 = arith.constant 0 : i32
    %dma_start3A_231 = arith.constant 0 : i32
    %dma_start3A_232 = tpu.memref_slice %arg15[%dma_start3A_230, %dma_start3A_231] : memref<40x1536xf32, #tpu.memory_space<vmem>> -> memref<16x1536xf32, #tpu.memory_space<vmem>>
    %dma_start3A_233 = arith.constant 0 : i32
    %dma_start3A_234 = arith.constant 0 : i32
    %dma_start3A_235 = tpu.memref_slice %arg2[%dma_start3A_233, %dma_start3A_234] : memref<151936x1536xf32, #tpu.memory_space<hbm>> -> memref<151936x1536xf32, #tpu.memory_space<hbm>>
    tpu.enqueue_indirect_dma source(%dma_start3A_235 : memref<151936x1536xf32, #tpu.memory_space<hbm>>) target(%dma_start3A_232 : memref<16x1536xf32, #tpu.memory_space<vmem>>) offsets(%arg14 : memref<16xi32, #tpu.memory_space<vmem>>) semaphore(%arg21 : memref<!tpu.dma_semaphore, #tpu.memory_space<semaphore_mem>>)
    %dma_wait3A_236 = arith.constant 0 : i32
    %dma_wait3A_237 = arith.constant 0 : i32
    %dma_wait3A_238 = tpu.memref_slice %arg16[%dma_wait3A_236, %dma_wait3A_237] : memref<40x1536xf32, #tpu.memory_space<vmem>> -> memref<40x1536xf32, #tpu.memory_space<vmem>>
    %dma_wait3A_239 = arith.constant 0 : i32
    %dma_wait3A_240 = arith.constant 0 : i32
    %dma_wait3A_241 = tpu.memref_slice %arg2[%dma_wait3A_239, %dma_wait3A_240] : memref<151936x1536xf32, #tpu.memory_space<hbm>> -> memref<151936x1536xf32, #tpu.memory_space<hbm>>
    tpu.wait_indirect_dma semaphore(%arg22 : memref<!tpu.dma_semaphore, #tpu.memory_space<semaphore_mem>>) src(%dma_wait3A_241 : memref<151936x1536xf32, #tpu.memory_space<hbm>>) dst(%dma_wait3A_238 : memref<40x1536xf32, #tpu.memory_space<vmem>>)
    %add3A_242 = arith.constant 200 : i32
    %add3A_243 = arith.addi %multiple_of3A, %add3A_242 : i32
    %dma_start3A_244 = arith.constant 0 : i32
    %dma_start3A_245 = arith.constant 0 : i32
    %dma_start3A_246 = tpu.memref_slice %arg16[%dma_start3A_244, %dma_start3A_245] : memref<40x1536xf32, #tpu.memory_space<vmem>> -> memref<40x1536xf32, #tpu.memory_space<vmem>>
    %dma_start3A_247 = arith.constant 0 : i32
    %dma_start3A_248 = tpu.memref_slice %arg6[%add3A_243, %dma_start3A_247] : memref<8192x1536xf32, #tpu.memory_space<hbm>> -> memref<40x1536xf32, #tpu.memory_space<hbm>>
    %dma_start3A_249 = arith.constant 0 : i32
    %dma_start3A_250 = tpu.memref_slice %arg6[%add3A_243, %dma_start3A_249] : memref<8192x1536xf32, #tpu.memory_space<hbm>> -> memref<40x1536xf32, #tpu.memory_space<hbm>>
    %dma_start3A_251 = arith.constant 0 : i32
    %dma_start3A_252 = arith.constant 0 : i32
    %dma_start3A_253 = tpu.memref_slice %arg16[%dma_start3A_251, %dma_start3A_252] : memref<40x1536xf32, #tpu.memory_space<vmem>> -> memref<40x1536xf32, #tpu.memory_space<vmem>>
    tpu.enqueue_dma source(%dma_start3A_253 : memref<40x1536xf32, #tpu.memory_space<vmem>>) target(%dma_start3A_250 : memref<40x1536xf32, #tpu.memory_space<hbm>>) target_semaphore(%arg24 : memref<!tpu.dma_semaphore, #tpu.memory_space<semaphore_mem>>)
    %dma_wait3A_254 = arith.constant 0 : i32
    %dma_wait3A_255 = arith.constant 0 : i32
    %dma_wait3A_256 = tpu.memref_slice %arg15[%dma_wait3A_254, %dma_wait3A_255] : memref<40x1536xf32, #tpu.memory_space<vmem>> -> memref<16x1536xf32, #tpu.memory_space<vmem>>
    %dma_wait3A_257 = arith.constant 0 : i32
    %dma_wait3A_258 = arith.constant 0 : i32
    %dma_wait3A_259 = tpu.memref_slice %arg2[%dma_wait3A_257, %dma_wait3A_258] : memref<151936x1536xf32, #tpu.memory_space<hbm>> -> memref<151936x1536xf32, #tpu.memory_space<hbm>>
    tpu.wait_indirect_dma semaphore(%arg21 : memref<!tpu.dma_semaphore, #tpu.memory_space<semaphore_mem>>) src(%dma_wait3A_259 : memref<151936x1536xf32, #tpu.memory_space<hbm>>) dst(%dma_wait3A_256 : memref<16x1536xf32, #tpu.memory_space<vmem>>)
    %add3A_260 = arith.constant 240 : i32
    %add3A_261 = arith.addi %multiple_of3A, %add3A_260 : i32
    %dma_start3A_262 = arith.constant 0 : i32
    %dma_start3A_263 = arith.constant 0 : i32
    %dma_start3A_264 = tpu.memref_slice %arg15[%dma_start3A_262, %dma_start3A_263] : memref<40x1536xf32, #tpu.memory_space<vmem>> -> memref<16x1536xf32, #tpu.memory_space<vmem>>
    %dma_start3A_265 = arith.constant 0 : i32
    %dma_start3A_266 = tpu.memref_slice %arg6[%add3A_261, %dma_start3A_265] : memref<8192x1536xf32, #tpu.memory_space<hbm>> -> memref<16x1536xf32, #tpu.memory_space<hbm>>
    %dma_start3A_267 = arith.constant 0 : i32
    %dma_start3A_268 = tpu.memref_slice %arg6[%add3A_261, %dma_start3A_267] : memref<8192x1536xf32, #tpu.memory_space<hbm>> -> memref<16x1536xf32, #tpu.memory_space<hbm>>
    %dma_start3A_269 = arith.constant 0 : i32
    %dma_start3A_270 = arith.constant 0 : i32
    %dma_start3A_271 = tpu.memref_slice %arg15[%dma_start3A_269, %dma_start3A_270] : memref<40x1536xf32, #tpu.memory_space<vmem>> -> memref<16x1536xf32, #tpu.memory_space<vmem>>
    tpu.enqueue_dma source(%dma_start3A_271 : memref<16x1536xf32, #tpu.memory_space<vmem>>) target(%dma_start3A_268 : memref<16x1536xf32, #tpu.memory_space<hbm>>) target_semaphore(%arg23 : memref<!tpu.dma_semaphore, #tpu.memory_space<semaphore_mem>>)
    %dma_wait3A_272 = arith.constant 0 : i32
    %dma_wait3A_273 = arith.constant 0 : i32
    %dma_wait3A_274 = tpu.memref_slice %arg15[%dma_wait3A_272, %dma_wait3A_273] : memref<40x1536xf32, #tpu.memory_space<vmem>> -> memref<16x1536xf32, #tpu.memory_space<vmem>>
    %dma_wait3A_275 = arith.constant 0 : i32
    %dma_wait3A_276 = tpu.memref_slice %arg6[%add3A_261, %dma_wait3A_275] : memref<8192x1536xf32, #tpu.memory_space<hbm>> -> memref<16x1536xf32, #tpu.memory_space<hbm>>
    %dma_wait3A_277 = arith.constant 0 : i32
    %dma_wait3A_278 = tpu.memref_slice %arg6[%add3A_261, %dma_wait3A_277] : memref<8192x1536xf32, #tpu.memory_space<hbm>> -> memref<16x1536xf32, #tpu.memory_space<hbm>>
    %dma_wait3A_279 = arith.constant 0 : i32
    %dma_wait3A_280 = arith.constant 0 : i32
    %dma_wait3A_281 = tpu.memref_slice %arg15[%dma_wait3A_279, %dma_wait3A_280] : memref<40x1536xf32, #tpu.memory_space<vmem>> -> memref<16x1536xf32, #tpu.memory_space<vmem>>
    tpu.wait_dma2 semaphore(%arg23 : memref<!tpu.dma_semaphore, #tpu.memory_space<semaphore_mem>>) src(%dma_wait3A_281 : memref<16x1536xf32, #tpu.memory_space<vmem>>) dst(%dma_wait3A_278 : memref<16x1536xf32, #tpu.memory_space<hbm>>)
    %dma_wait3A_282 = arith.constant 0 : i32
    %dma_wait3A_283 = arith.constant 0 : i32
    %dma_wait3A_284 = tpu.memref_slice %arg16[%dma_wait3A_282, %dma_wait3A_283] : memref<40x1536xf32, #tpu.memory_space<vmem>> -> memref<40x1536xf32, #tpu.memory_space<vmem>>
    %dma_wait3A_285 = arith.constant 0 : i32
    %dma_wait3A_286 = tpu.memref_slice %arg6[%add3A_243, %dma_wait3A_285] : memref<8192x1536xf32, #tpu.memory_space<hbm>> -> memref<40x1536xf32, #tpu.memory_space<hbm>>
    %dma_wait3A_287 = arith.constant 0 : i32
    %dma_wait3A_288 = tpu.memref_slice %arg6[%add3A_243, %dma_wait3A_287] : memref<8192x1536xf32, #tpu.memory_space<hbm>> -> memref<40x1536xf32, #tpu.memory_space<hbm>>
    %dma_wait3A_289 = arith.constant 0 : i32
    %dma_wait3A_290 = arith.constant 0 : i32
    %dma_wait3A_291 = tpu.memref_slice %arg16[%dma_wait3A_289, %dma_wait3A_290] : memref<40x1536xf32, #tpu.memory_space<vmem>> -> memref<40x1536xf32, #tpu.memory_space<vmem>>
    tpu.wait_dma2 semaphore(%arg24 : memref<!tpu.dma_semaphore, #tpu.memory_space<semaphore_mem>>) src(%dma_wait3A_291 : memref<40x1536xf32, #tpu.memory_space<vmem>>) dst(%dma_wait3A_288 : memref<40x1536xf32, #tpu.memory_space<hbm>>)
    %convert_element_type3A_292 = arith.extui %lt3A_3 : i1 to i32
    %cond3A_293 = arith.constant 0 : i32
    %cond3A_294 = arith.cmpi ne, %convert_element_type3A_292, %cond3A_293 : i32
    scf.if %cond3A_294 {
      %dma_wait3A_295 = arith.constant 0 : i32
      %dma_wait3A_296 = arith.constant 0 : i32
      %dma_wait3A_297 = tpu.memref_slice %arg19[%dma_wait3A_295, %dma_wait3A_296] : memref<1x1536xf32, #tpu.memory_space<vmem>> -> memref<1x1536xf32, #tpu.memory_space<vmem>>
      %dma_wait3A_298 = tpu.memref_squeeze %dma_wait3A_297 : memref<1x1536xf32, #tpu.memory_space<vmem>> -> memref<1536xf32, #tpu.memory_space<vmem>>
      %dma_wait3A_299 = arith.constant 0 : i32
      %dma_wait3A_300 = tpu.memref_slice %arg7[%add3A, %dma_wait3A_299] : memref<4x1536xf32, #tpu.memory_space<hbm>> -> memref<1x1536xf32, #tpu.memory_space<hbm>>
      %dma_wait3A_301 = tpu.memref_squeeze %dma_wait3A_300 : memref<1x1536xf32, #tpu.memory_space<hbm>> -> memref<1536xf32, #tpu.memory_space<hbm>>
      %dma_wait3A_302 = arith.constant 0 : i32
      %dma_wait3A_303 = tpu.memref_slice %arg7[%add3A, %dma_wait3A_302] : memref<4x1536xf32, #tpu.memory_space<hbm>> -> memref<1x1536xf32, #tpu.memory_space<hbm>>
      %dma_wait3A_304 = tpu.memref_squeeze %dma_wait3A_303 : memref<1x1536xf32, #tpu.memory_space<hbm>> -> memref<1536xf32, #tpu.memory_space<hbm>>
      %dma_wait3A_305 = arith.constant 0 : i32
      %dma_wait3A_306 = tpu.memref_slice %arg19[%dma_wait3A_295, %dma_wait3A_305] : memref<1x1536xf32, #tpu.memory_space<vmem>> -> memref<1x1536xf32, #tpu.memory_space<vmem>>
      %dma_wait3A_307 = tpu.memref_squeeze %dma_wait3A_306 : memref<1x1536xf32, #tpu.memory_space<vmem>> -> memref<1536xf32, #tpu.memory_space<vmem>>
      tpu.wait_dma2 semaphore(%arg25 : memref<!tpu.dma_semaphore, #tpu.memory_space<semaphore_mem>>) src(%dma_wait3A_307 : memref<1536xf32, #tpu.memory_space<vmem>>) dst(%dma_wait3A_304 : memref<1536xf32, #tpu.memory_space<hbm>>)
    } else {
    }
    return
  }
}

</mosaic_0001>

<sc_bundles>
// kernel: _run.3.cloned.1.call-start
scs
__scs_entry_jumppad:
0x0: {  	(pc) =	sbr.rel $0x88, $3  }
0x1: {  	(tag) =	ssettag $0x0;
	lr =	simm.s32 $0x1  }
0x2: {  	[smem:$0x3F9D] =	sst lr;
	_ =	strace $0xD0000000  }
0x3: {  	_ = 	snop  }
0x4: {  	_ = 	snop  }
0x5: {  	_ = 	snop  }
0x6: {  	_ = 	snop  }
0x7: {  	_ = 	snop  }
__scs_overlays_trampoline_lowered:
0x8: {  	[smem:$0x3FAC] =	sst s0  }
0x9: {  	[smem:$0x3FAD] =	sst s1  }
0xa: {  	[smem:$0x3FAE] =	sst s2  }
0xb: {  	[smem:$0x3FAF] =	sst s3  }
0xc: {  	[smem:$0x3FB0] =	sst s4  }
0xd: {  	[smem:$0x3FB1] =	sst s5  }
0xe: {  	[smem:$0x3FB2] =	sst s6  }
0xf: {  	[smem:$0x3FB3] =	sst s7  }
0x10: {  	[smem:$0x3FB4] =	sst s8  }
0x11: {  	[smem:$0x3FB5] =	sst s9;
	s0 =	simm.s32 @!p0 $0x0  }
0x12: {  	s1 =	sld [smem:$0x3F9B];
	s0 =	simm.s32 @p0 $0x1  }
0x13: {  	[smem:$0x3FB6] =	sst s0;
	s0 =	simm.s32 @!p1 $0x0  }
0x14: {  	s2 =	sld [smem:$0x3F9A];
	s0 =	simm.s32 @p1 $0x1  }
0x15: {  	[smem:$0x3FB7] =	sst s0;
	s0 =	simm.s32 @!p2 $0x0  }
0x16: {  	s3 =	sld [smem:$0x3FDB];
	s0 =	simm.s32 @p2 $0x1  }
0x17: {  	s4 =	simm.s32 $0x1BF5;
	[smem:$0x3FB9] =	sst s0  }
0x18: {  	s0 =	sld [smem:$0x3F9C];
	_ =	swait.ge [sflag:s4], $0x0  }
0x19: {  	s7 =	sld [smem:$0x3F9D]  }
0x1a: {  	s8 =	sadd.s32 $0xFFFFE003, lr  }
0x1b: {  	s9 =	sadd.s32 $0xFFFFFEF7, lr;
	s5 =	simm.s32 $0xFFFFFFFF;
	p2 =	slt.u32 s8, $0xFFFFF086  }
0x1c: {  	p1 =	slt.u32 s9, $0xF7A;
	s5 =	simm.s32 @!p2 $0x0  }
0x1d: {  	s5 =	simm.s32 @p1 $0x1;
	p0 =	seq.s32 s7, s2  }
0x1e: {  	s7 =	smul.u32 @!p0 $0xF7A, s2;
	p2 =	seq.s32 @!p0 s5, $0x0  }
0x1f: {  	s9 =	smul.u32 $0xF7A, s1;
	s8 =	simm.s32 @!p0 $0x1BF5;
	p2 =	por !p2, p0  }
0x20: {  	[sflag:s8] =	ssyncset.s32 @!p0 $0xFFFFF086;
	s6 =	sadd.s32 @!p0 s3, s7;
	s7 =	simm.s32 @!p0 $0x108  }
0x21: {  	s3 =	sadd.s32 s3, s9;
	s6 =	sadd.s32 @!p0 $0x88, s6;
	s7 =	simm.s32 @p2 $0x1082  }
0x22: {  	[simem:s7], [sflag:s8] =	dma.local @!p0 [hbm:s6], $0xF7A  }
0x23: {  	s9 =	sor.u32 $0xD0000000, s2;
	s6 =	simm.s32 $0x108;
	_ =	swait.ge @!p0 [sflag:s8], $0x0  }
0x24: {  	s3 =	sadd.s32 $0x88, s3;
	s6 =	simm.s32 @!p1 $0x1082;
	[sflag:s4] =	ssyncset.s32 $0xFFFFF086  }
0x25: {  	[simem:s6], [sflag:s4] =	dma.local [hbm:s3], $0xF7A  }
0x26: {  	[smem:$0x3F9D] =	sst s1;
	(tag) =	ssettag s2;
	_ =	strace s9  }
0x27: {  	s1 =	sld [smem:$0x3FAD]  }
0x28: {  	s2 =	sld [smem:$0x3FAE]  }
0x29: {  	s4 =	sld [smem:$0x3FB0]  }
0x2a: {  	p0 =	seq.s32 s5, $0x0;
	s5 =	sld [smem:$0x3FB1]  }
0x2b: {  	s6 =	sld [smem:$0x3FB2]  }
0x2c: {  	s7 =	sld [smem:$0x3FB3]  }
0x2d: {  	s3 =	simm.s32 $0x108;
	s8 =	sld [smem:$0x3FB4]  }
0x2e: {  	s3 =	simm.s32 @!p0 $0x1082;
	s9 =	sld [smem:$0x3FB5]  }
0x2f: {  	lr =	sadd.s32 s0, s3;
	s0 =	sld [smem:$0x3FAC]  }
0x30: {  	s3 =	sld [smem:$0x3FAF]  }
0x31: {  	[smem:$0x3FB8] =	sst s10  }
0x32: {  	s10 =	sld [smem:$0x3FB6];
	_ =	sdelay $0x3  }
0x33: {  	p0 =	seq.s32 s10, $0x1;
	s10 =	sld [smem:$0x3FB8];
	_ =	sdelay $0x3  }
0x34: {  	[smem:$0x3FB8] =	sst s10  }
0x35: {  	s10 =	sld [smem:$0x3FB7];
	_ =	sdelay $0x3  }
0x36: {  	p1 =	seq.s32 s10, $0x1;
	s10 =	sld [smem:$0x3FB8];
	_ =	sdelay $0x3  }
0x37: {  	[smem:$0x3FB8] =	sst s10  }
0x38: {  	s10 =	sld [smem:$0x3FB9]  }
0x39: {  	_ = 	snop;
	(pc) =	sbr.ind lr, $3  }
0x3a: {  	_ = 	snop  }
0x3b: {  	_ = 	snop  }
0x3c: {  	p2 =	seq.s32 s10, $0x1;
	s10 =	sld [smem:$0x3FB8]  }
0x3d: {  	_ =	shalt  }
0x3e: {  	_ =	shalt  }
0x3f: {  	_ =	shalt  }
0x40: {  	_ =	shalt  }
0x41: {  	_ =	shalt  }
0x42: {  	_ =	shalt  }
0x43: {  	_ =	shalt  }
0x44: {  	_ =	shalt  }
0x45: {  	_ =	shalt  }
0x46: {  	_ =	shalt  }
0x47: {  	_ =	shalt  }
0x48: {  	_ =	shalt  }
0x49: {  	_ =	shalt  }
0x4a: {  	_ =	shalt  }
0x4b: {  	_ =	shalt  }
0x4c: {  	_ =	shalt  }
0x4d: {  	_ =	shalt  }
0x4e: {  	_ =	shalt  }
0x4f: {  	_ =	shalt  }
0x50: {  	_ =	shalt  }
0x51: {  	_ =	shalt  }
0x52: {  	_ =	shalt  }
0x53: {  	_ =	shalt  }
0x54: {  	_ =	shalt  }
0x55: {  	_ =	shalt  }
0x56: {  	_ =	shalt  }
0x57: {  	_ =	shalt  }
0x58: {  	_ =	shalt  }
0x59: {  	_ =	shalt  }
0x5a: {  	_ =	shalt  }
0x5b: {  	_ =	shalt  }
0x5c: {  	_ =	shalt  }
0x5d: {  	_ =	shalt  }
0x5e: {  	_ =	shalt  }
0x5f: {  	_ =	shalt  }
0x60: {  	_ =	shalt  }
0x61: {  	_ =	shalt  }
0x62: {  	_ =	shalt  }
0x63: {  	_ =	shalt  }
0x64: {  	_ =	shalt  }
0x65: {  	_ =	shalt  }
0x66: {  	_ =	shalt  }
0x67: {  	_ =	shalt  }
0x68: {  	_ =	shalt  }
0x69: {  	_ =	shalt  }
0x6a: {  	_ =	shalt  }
0x6b: {  	_ =	shalt  }
0x6c: {  	_ =	shalt  }
0x6d: {  	_ =	shalt  }
0x6e: {  	_ =	shalt  }
0x6f: {  	_ =	shalt  }
0x70: {  	_ =	shalt  }
0x71: {  	_ =	shalt  }
0x72: {  	_ =	shalt  }
0x73: {  	_ =	shalt  }
0x74: {  	_ =	shalt  }
0x75: {  	_ =	shalt  }
0x76: {  	_ =	shalt  }
0x77: {  	_ =	shalt  }
0x78: {  	_ =	shalt  }
0x79: {  	_ =	shalt  }
0x7a: {  	_ =	shalt  }
0x7b: {  	_ =	shalt  }
0x7c: {  	_ =	shalt  }
0x7d: {  	_ =	shalt  }
0x7e: {  	_ =	shalt  }
0x7f: {  	_ =	shalt  }
0x80: {  	_ =	shalt  }
0x81: {  	_ =	shalt  }
0x82: {  	_ =	shalt  }
0x83: {  	_ =	shalt  }
0x84: {  	_ =	shalt  }
0x85: {  	_ =	shalt  }
0x86: {  	_ =	shalt  }
0x87: {  	_ =	shalt  }
.Lfunc_end0:
.L_simem_size_0:
called_computation_lowered:
.L_overlay_start_0:
0x88: {  	s2 =	sld [smem:$0x3FD9]  }
0x89: {  	s3 =	sld [smem:$0x3FFE];
	_ =	sdelay $0x1  }
0x8a: {  	s1 =	srdreg.scid  }
0x8b: {  	s0 =	sand.u32 $0x1, s1  }
0x8c: {  	s15 =	sshll.u32 s0, $0xA;
	s2 =	sadd.s32 s3, s2  }
0x8d: {  	s2 =	sadd.s32 s2, s15  }
0x8e: {  	[smem:$0x3FC4] =	sst s2  }
0x8f: {  	_ = 	snop  }
0x90: {  	s2 =	sld [smem:$0x3FC9]  }
0x91: {  	s16 =	sld [smem:$0x3FD0]  }
0x92: {  	s4 =	sld [smem:$0x3FC8]  }
0x93: {  	s5 =	sld [smem:$0x3FC7]  }
0x94: {  	s7 =	simm.s32 $0xA;
	s8 =	simm.s32 $0x10;
	s6 =	sld [smem:$0x3FC6]  }
0x95: {  	[smem:s8], [sflag:s7] =	dma.local [hbm:s16], $0x1  }
0x96: {  	_ =	swait.eq [sflag:s7], $0x1  }
0x97: {  	[sflag:s7] =	ssyncset.done $0x0  }
0x98: {  	s17 =	sld [smem:$0x10];
	[sflag:s7] =	ssyncadd.s32 $0xFFFFFFFF  }
0x99: {  	s18 =	sld [smem:$0x11];
	(tm) =	ssettm $0x1  }
0x9a: {  	s19 =	sld [smem:$0x3FFB];
	_ =	sdelay $0x3  }
0x9b: {  	_ =	strace s19  }
0x9c: {  	s8 =	sld [smem:$0x3FFC];
	_ =	sdelay $0x3  }
0x9d: {  	_ =	strace s8  }
0x9e: {  	s8 =	sld [smem:$0x3FFD];
	_ =	sdelay $0x3  }
0x9f: {  	_ =	strace s8  }
0xa0: {  	_ =	strace $0x8FFFFFFF  }
0xa1: {  	s20 =	sld [smem:$0x3FDB];
	_ =	sdelay $0x1  }
0xa2: {  	s9 =	simm.s32 $_scs_section_size  }
0xa3: {  	s10 =	simm.s32 $_size__tile_overlayer_lowered;
	s11 =	simm.s32 $_tile_overlayer_lowered  }
0xa4: {  	s23 =	simm.s32 $0x1BFF;
	s22 =	sshll.u32 s11, $0x1;
	s8 =	sadd.s32 s9, s20  }
0xa5: {  	s12 =	simm.s32 $0x0;
	s21 =	sshll.u32 s10, $0x1;
	s10 =	sadd.s32 s22, s8  }
0xa6: {  	[timem:s12], [sflag:s23] =	dma.local [hbm:s10], s21  }
0xa7: {  	_ =	swait.ge [sflag:s23], s21  }
0xa8: {  	s9 =	ssub.s32 $0x0, s21;
	[sflag:s23] =	ssyncset.done $0x0  }
0xa9: {  	[sflag:s23] =	ssyncadd.s32 s9;
	_ =	sdelay $0x1  }
0xaa: {  	s24 =	simm.s32 $0x1B8B  }
0xab: {  	_ =	swait.ge [sflag:s24], $0x1  }
0xac: {  	[sflag:s24] =	ssyncset.done $0x0  }
0xad: {  	s25 =	simm.s32 $0x1B8E;
	[sflag:s24] =	ssyncadd.s32 $0xFFFFFFFF  }
0xae: {  	s26 =	simm.s32 $execute0_lowered;
	[smem:$0x3FD2] =	sst s25  }
0xaf: {  	s9 =	sshll.u32 s26, $0x1;
	_ =	strace $0x80000046;
	[dreg:$0x1] =	wrdreg $0xFFFFFFFF  }
0xb0: {  	s28 =	simm.s32 $_size_execute0_lowered;
	s8 =	sadd.s32 s8, s9;
	[dreg:$0x0] =	wrdreg $0x0  }
0xb1: {  	s9 =	sshll.u32 s28, $0x1;
	[dreg:$0x2] =	wrdreg s8  }
0xb2: {  	[dreg:$0x3] =	wrdreg s9  }
0xb3: {  	[dreg:$0x4] =	wrdreg $0xC0  }
0xb4: {  	_ =	task [dreg:s12], $0x5FFFF  }
0xb5: {  	[dreg:$0x1] =	wrdreg $0xFFFFFFFF  }
0xb6: {  	[dreg:$0x0] =	wrdreg $0x60  }
0xb7: {  	[dreg:$0x2] =	wrdreg s2  }
0xb8: {  	[dreg:$0x3] =	wrdreg s4  }
0xb9: {  	[dreg:$0x4] =	wrdreg s5  }
0xba: {  	[dreg:$0x5] =	wrdreg s6  }
0xbb: {  	[dreg:$0x6] =	wrdreg s17  }
0xbc: {  	[dreg:$0x7] =	wrdreg s18  }
0xbd: {  	[dreg:$0x8] =	wrdreg $0x9  }
0xbe: {  	_ =	task.clear_ibuf [dreg:s12], $0x9FFFF;
	_ =	strace $0x90000046  }
0xbf: {  	s29 =	simm.s32 $0x9;
	_ =	strace $0x80000048  }
0xc0: {  	_ =	swait.ge [sflag:s29], $0x1  }
0xc1: {  	[sflag:s29] =	ssyncadd.s32 $0xFFFFFFFF  }
0xc2: {  	_ =	strace $0x90000048  }
0xc3: {  	_ =	sfence  }
0xc4: {  	s30 =	sld [smem:$0x0];
	_ =	sdelay $0x2  }
0xc5: {  	s31 =	sshll.u32 s1, $0xD;
	s1 =	sshrl.u32 s1, $0x2  }
0xc6: {  	s3 =	sand.u32 $0x4000, s31;
	s1 =	sadd.s32 s1, s30  }
0xc7: {  	s0 =	sor.u32 s3, s0;
	s1 =	sshll.u32 s1, $0x11  }
0xc8: {  	s0 =	sor.u32 s1, s0  }
0xc9: {  	s0 =	sadd.s32 $0x8F2B, s0  }
0xca: {  	[sflag:s0] =	ssyncadd.remote.s32 $0x1  }
0xcb: {  	_ =	sfence.sel $0xFFFF  }
0xcc: {  	[dreg:$0x0] =	wrdreg $0xFFFFFFFF;
	(pc) =	sbr.abs _section_cstart, $3  }
0xcd: {  	[dreg:$0x1] =	wrdreg $0xFFFFFFFF  }
0xce: {  	_ =	task.clear_ibuf [dreg:s12], $0x2FFFF;
	_ =	strace $0x9FFFFFFF  }
0xcf: {  	(tm) =	ssettm $0x7FFFFFFF  }
tec
execute0_lowered:
.L_overlay_start_1:
0x0: {  	(tag) =	ssettag $0x1  }
0x1: {  	s1 =	rddreg [dreg:$0x0]  }
0x2: {  	s0 =	rddreg [dreg:$0x1]  }
0x3: {  	s2 =	rddreg [dreg:$0x2]  }
0x4: {  	s4 =	rddreg [dreg:$0x3]  }
0x5: {  	s5 =	rddreg [dreg:$0x4]  }
0x6: {  	s6 =	rddreg [dreg:$0x5]  }
0x7: {  	s7 =	srdreg.scid;
	s18 =	stileid.u32  }
0x8: {  	s3 =	simm.s32 $0x0;
	s30 =	simm.s32 $0x8B80;
	s29 =	simm.s32 $0xEB80  }
0x9: {  	s7 =	sand.u32 $0x1, s7;
	s8 =	sshll.u32 s18, $0x1;
	[smem:$0x7FF] =	sst s3  }
0xa: {  	p0 =	sgt.u32 s18, $0x1;
	s9 =	ssub.s32 $0x2, s7;
	s7 =	sor.u32 s7, s8  }
0xb: {  	_ =	strace $0x80000047;
	s25 =	sshrl.u32 s9, $0x1;
	s10 =	sshll.u32 s7, $0x5  }
0xc: {  	s17 =	smul.u32 $0xC000, s7;
	s19 =	sshll.u32 s7, $0x4;
	s8 =	ssub.s32 s9, s25  }
0xd: {  	s26 =	sadd.s32 s0, s10;
	s28 =	sor.u32 $0x5, s10;
	s31 =	sor.u32 $0xA, s10  }
0xe: {  	s13 =	sor.u32 $0xF, s10;
	s4 =	sadd.s32 s4, s19;
	[dreg:$0x7] =	wrdreg s26  }
0xf: {  	s2 =	sadd.s32 s2, s19;
	s11 =	sadd.s32 s0, s28;
	[dreg:$0xe] =	wrdreg s4  }
0x10: {  	s12 =	sadd.s32 s0, s31;
	s9 =	smul.u32 $0x600, s28;
	[dreg:$0xf] =	wrdreg s2  }
0x11: {  	s14 =	sadd.s32 s0, s13;
	s20 =	smul.u32 $0x600, s31;
	[dreg:$0x8] =	wrdreg s11  }
0x12: {  	s21 =	smul.u32 $0x600, s13;
	s13 =	sadd.s32 $0x200, s1;
	[dreg:$0x9] =	wrdreg s12  }
0x13: {  	s24 =	sadd.s32 s5, s17;
	s31 =	smax.u32 s8, $0x1;
	[dreg:$0xa] =	wrdreg s14  }
0x14: {  	s14 =	sor.u32 $0x14, s10;
	s12 =	sadd.s32 $0x100, s1;
	[dreg:$0x11] =	wrdreg s24  }
0x15: {  	s24 =	sadd.s32 $0x400, s1;
	[dreg:$0x18] =	wrdreg s31;
	s11 =	simm.s32 $0xE380  }
0x16: {  	s15 =	sadd.s32 s0, s14;
	s22 =	smul.u32 $0x600, s14;
	s25 =	sadd.s32 s5, s9  }
0x17: {  	s7 =	sadd.s32 s5, s20;
	s4 =	sadd.s32 s5, s21;
	[dreg:$0xb] =	wrdreg s15  }
0x18: {  	s21 =	simm.s32 $0x8380;
	s14 =	simm.s32 $0xF380;
	[dreg:$0x12] =	wrdreg s25  }
0x19: {  	s15 =	sor.u32 $0x19, s10;
	s10 =	sor.u32 $0x1E, s10;
	[dreg:$0x13] =	wrdreg s7  }
0x1a: {  	[dreg:$0x14] =	wrdreg s4;
	s25 =	simm.s32 $0x380;
	s16 =	sadd.s32 s0, s15  }
0x1b: {  	s0 =	sadd.s32 s0, s10;
	s23 =	smul.u32 $0x600, s15;
	[dreg:$0xc] =	wrdreg s16  }
.Ltmp0:
0x1c: {  	s2 =	sadd.s32 s5, s22;
	[dreg:$0xd] =	wrdreg s0;
	(pc) =	sbr.rel .LBB2_1-.Ltmp0, $4  }
0x1d: {  	s26 =	smul.u32 $0x600, s10;
	s0 =	sadd.s32 s6, s19;
	[dreg:$0x15] =	wrdreg s2  }
0x1e: {  	v0 =	vlaneseq.u32;
	vm0 =	vmmov $0xffff;
	v4 =	vimm.s32 $0x0;
	s4 =	simm.s32 $0x0;
	[dreg:$0x10] =	wrdreg s0;
	s0 =	sadd.s32 s5, s23  }
0x1f: {  	vm1 =	vmmov $0xfff;
	v1 =	vand.u32 $0x7, v0;
	v2 =	vshrl.u32 v0, $0x3;
	s16 =	sadd.s32 $0x300, s1;
	s28 =	sadd.s32 s5, s26;
	[dreg:$0x16] =	wrdreg s0  }
0x20: {  	v3 =	vor.u32 $0x8, v0;
	v5 =	vmul.u32 $0x8, v0;
	v2 =	vmul.u32 $0x8, v2;
	s26 =	sadd.s32 $0x500, s1;
	s23 =	simm.s32 $0xDB80;
	[dreg:$0x17] =	wrdreg s28  }
.LBB2_8:
0x21: {  	vm2 =	vgt.s32 v7, v8  }
0x22: {  	v6 =	vsel vm2, v7, v8  }
0x23: {  	(v2sf) =	vpush v6, $0x0  }
0x24: {  	(v2sf) =	vpush v6, $0x1;
	_ =	sdelay $0x1  }
0x25: {  	(v2sf) =	vpush v6, $0x2;
	_ =	sdelay $0x1  }
0x26: {  	(v2sf) =	vpush v6, $0x3;
	_ =	sdelay $0x1  }
0x27: {  	(v2sf) =	vpush v6, $0x4;
	_ =	sdelay $0x1  }
0x28: {  	(v2sf) =	vpush v6, $0x5;
	_ =	sdelay $0x1  }
0x29: {  	(v2sf) =	vpush v6, $0x6;
	_ =	sdelay $0x1  }
0x2a: {  	(v2sf) =	vpush v6, $0x7;
	_ =	sdelay $0x1  }
0x2b: {  	s15 =	spop (v2sf);
	(v2sf) =	vpush v6, $0x8  }
0x2c: {  	s17 =	spop (v2sf)  }
0x2d: {  	(v2sf) =	vpush v6, $0x9;
	p1 =	sgt.s32 s15, s17  }
0x2e: {  	s17 =	smov.u32 @p1 s15;
	s15 =	spop (v2sf)  }
0x2f: {  	(v2sf) =	vpush v6, $0xA;
	p1 =	sgt.s32 s17, s15  }
0x30: {  	s15 =	smov.u32 @p1 s17;
	s17 =	spop (v2sf)  }
0x31: {  	(v2sf) =	vpush v6, $0xB;
	p1 =	sgt.s32 s15, s17  }
0x32: {  	s17 =	smov.u32 @p1 s15;
	s15 =	spop (v2sf)  }
0x33: {  	(v2sf) =	vpush v6, $0xC;
	p1 =	sgt.s32 s17, s15  }
0x34: {  	s15 =	smov.u32 @p1 s17;
	s17 =	spop (v2sf)  }
0x35: {  	(v2sf) =	vpush v6, $0xD;
	p1 =	sgt.s32 s15, s17  }
0x36: {  	s17 =	smov.u32 @p1 s15;
	s15 =	spop (v2sf)  }
0x37: {  	(v2sf) =	vpush v6, $0xE;
	p1 =	sgt.s32 s17, s15  }
0x38: {  	s15 =	smov.u32 @p1 s17;
	s17 =	spop (v2sf)  }
0x39: {  	(v2sf) =	vpush v6, $0xF;
	p1 =	sgt.s32 s15, s17  }
0x3a: {  	s17 =	smov.u32 @p1 s15;
	s15 =	spop (v2sf)  }
0x3b: {  	p1 =	sgt.s32 s17, s15  }
0x3c: {  	s15 =	smov.u32 @p1 s17;
	s17 =	spop (v2sf)  }
0x3d: {  	p1 =	sgt.s32 s15, s17  }
0x3e: {  	s17 =	smov.u32 @p1 s15;
	s15 =	spop (v2sf)  }
0x3f: {  	p1 =	sgt.s32 s17, s15  }
0x40: {  	s15 =	smov.u32 @p1 s17;
	s17 =	spop (v2sf)  }
0x41: {  	p1 =	sgt.s32 s15, s17  }
0x42: {  	s17 =	smov.u32 @p1 s15;
	s15 =	spop (v2sf)  }
0x43: {  	p1 =	sgt.s32 s17, s15  }
0x44: {  	s15 =	smov.u32 @p1 s17;
	s17 =	spop (v2sf)  }
0x45: {  	p1 =	sgt.s32 s15, s17  }
0x46: {  	s17 =	smov.u32 @p1 s15;
	s15 =	spop (v2sf)  }
0x47: {  	p1 =	sgt.s32 s17, s15  }
0x48: {  	s15 =	smov.u32 @p1 s17;
	s17 =	spop (v2sf)  }
0x49: {  	p1 =	sgt.s32 s15, s17  }
0x4a: {  	s17 =	smov.u32 @p1 s15  }
0x4b: {  	v6 =	vmov s17  }
0x4c: {  	[tilespmem:$0x1EB80] =	vst v6  }
0x4d: {  	v6 =	vld.msk [tilespmem:$0x1EB80], $0x1;
	_ =	sdelay $0x4  }
0x4e: {  	v7 =	vshrl.u32 v6, $0x3  }
0x4f: {  	v7 =	vmul.u32 $0x60, v7  }
0x50: {  	v6 =	vand.u32 $0x7, v6  }
0x51: {  	v6 =	vor.u32 v6, v7  }
0x52: {  	v6 =	vperm.xlane v6, v4;
	_ =	sdelay $0x1  }
0x53: {  	v6 =	vadd.s32 v5, v6;
	_ =	sdelay $0x3  }
0x54: {  	s2 =	simm.s32 $0x1EC00;
	s4 =	smov.u32 s10  }
0x55: {  	[tilespmem:s2], [sflag:$0x6] =	stream.indirect_vreg.gather [hbm4b:s1+s3], $0x80, v6, vm1, $0xb8;
	[tilespmem:$0x1F200] =	vst v63  }
.LBB2_9:
0x56: {  	s10 =	simm.s32 $0x3  }
0x57: {  	_ =	swait.ge [sflag:s10], $0xF000  }
0x58: {  	[sflag:s10] =	ssyncset.done $0x0  }
0x59: {  	[sflag:s10] =	ssyncadd.s32 $0xFFFF1000  }
0x5a: {  	v6 =	vld [tilespmem:$0x100];
	_ =	sdelay $0x4  }
0x5b: {  	v7 =	vshrl.u32 v6, $0x3  }
0x5c: {  	v7 =	vmul.u32 $0x60, v7  }
0x5d: {  	v6 =	vand.u32 $0x7, v6  }
0x5e: {  	v6 =	vor.u32 v6, v7  }
0x5f: {  	v7 =	vperm.xlane v6, v1;
	_ =	sdelay $0x1  }
0x60: {  	v7 =	vadd.s32 v2, v7;
	_ =	sdelay $0x4  }
0x61: {  	[tilespmem:s0], [sflag:$0x1] =	stream.indirect_vreg.gather [hbm4b:s1+s3], $0x80, v7, vm0, $0xb8;
	[tilespmem:$0x1F200] =	vst v63  }
0x62: {  	s28 =	simm.s32 $0xB80  }
0x63: {  	[tilespmem:s28], [sflag:$0x1] =	stream.indirect_vreg.gather [hbm4b:s12+s3], $0x80, v7, vm0, $0xb8;
	[tilespmem:$0x1F200] =	vst v63  }
0x64: {  	s31 =	simm.s32 $0x1380  }
0x65: {  	[tilespmem:s31], [sflag:$0x1] =	stream.indirect_vreg.gather [hbm4b:s13+s3], $0x80, v7, vm0, $0xb8;
	[tilespmem:$0x1F200] =	vst v63  }
0x66: {  	s2 =	simm.s32 $0x1B80;
	v6 =	vperm.xlane v6, v3  }
0x67: {  	[tilespmem:s2], [sflag:$0x1] =	stream.indirect_vreg.gather [hbm4b:s16+s3], $0x80, v7, vm0, $0xb8;
	[tilespmem:$0x1F200] =	vst v63  }
0x68: {  	s6 =	simm.s32 $0x2380;
	v6 =	vadd.s32 v2, v6  }
0x69: {  	[tilespmem:s6], [sflag:$0x1] =	stream.indirect_vreg.gather [hbm4b:s24+s3], $0x80, v7, vm0, $0xb8;
	[tilespmem:$0x1F200] =	vst v63  }
0x6a: {  	s7 =	simm.s32 $0x2B80  }
0x6b: {  	[tilespmem:s7], [sflag:$0x1] =	stream.indirect_vreg.gather [hbm4b:s26+s3], $0x80, v7, vm0, $0xb8;
	[tilespmem:$0x1F200] =	vst v63  }
0x6c: {  	s8 =	simm.s32 $0x3380  }
0x6d: {  	[tilespmem:s8], [sflag:$0x1] =	stream.indirect_vreg.gather [hbm4b:s1+s3], $0x80, v6, vm0, $0xb8;
	[tilespmem:$0x1F200] =	vst v63  }
0x6e: {  	s9 =	simm.s32 $0x3B80  }
0x6f: {  	[tilespmem:s9], [sflag:$0x1] =	stream.indirect_vreg.gather [hbm4b:s12+s3], $0x80, v6, vm0, $0xb8;
	[tilespmem:$0x1F200] =	vst v63  }
0x70: {  	s11 =	simm.s32 $0x4380  }
0x71: {  	[tilespmem:s11], [sflag:$0x1] =	stream.indirect_vreg.gather [hbm4b:s13+s3], $0x80, v6, vm0, $0xb8;
	[tilespmem:$0x1F200] =	vst v63  }
0x72: {  	s14 =	simm.s32 $0x4B80  }
0x73: {  	[tilespmem:s14], [sflag:$0x1] =	stream.indirect_vreg.gather [hbm4b:s16+s3], $0x80, v6, vm0, $0xb8;
	[tilespmem:$0x1F200] =	vst v63  }
0x74: {  	s15 =	simm.s32 $0x5380  }
0x75: {  	[tilespmem:s15], [sflag:$0x1] =	stream.indirect_vreg.gather [hbm4b:s24+s3], $0x80, v6, vm0, $0xb8;
	[tilespmem:$0x1F200] =	vst v63  }
0x76: {  	s17 =	simm.s32 $0x5B80  }
0x77: {  	[tilespmem:s17], [sflag:$0x1] =	stream.indirect_vreg.gather [hbm4b:s26+s3], $0x80, v6, vm0, $0xb8;
	[tilespmem:$0x1F200] =	vst v63  }
0x78: {  	v6 =	vld [tilespmem:$0x110];
	_ =	sdelay $0x4  }
0x79: {  	v7 =	vshrl.u32 v6, $0x3  }
0x7a: {  	v7 =	vmul.u32 $0x60, v7  }
0x7b: {  	v6 =	vand.u32 $0x7, v6  }
0x7c: {  	v6 =	vor.u32 v6, v7  }
0x7d: {  	v7 =	vperm.xlane v6, v1;
	_ =	sdelay $0x1  }
0x7e: {  	v7 =	vadd.s32 v2, v7;
	_ =	sdelay $0x4  }
0x7f: {  	[tilespmem:s19], [sflag:$0x1] =	stream.indirect_vreg.gather [hbm4b:s1+s3], $0x80, v7, vm0, $0xb8;
	[tilespmem:$0x1F200] =	vst v63  }
0x80: {  	s15 =	simm.s32 $0x6B80  }
0x81: {  	[tilespmem:s15], [sflag:$0x1] =	stream.indirect_vreg.gather [hbm4b:s12+s3], $0x80, v7, vm0, $0xb8;
	[tilespmem:$0x1F200] =	vst v63  }
0x82: {  	_ = 	snop  }
0x83: {  	[tilespmem:s5], [sflag:$0x1] =	stream.indirect_vreg.gather [hbm4b:s13+s3], $0x80, v7, vm0, $0xb8;
	[tilespmem:$0x1F200] =	vst v63  }
0x84: {  	s18 =	simm.s32 $0x7B80;
	v6 =	vperm.xlane v6, v3  }
0x85: {  	[tilespmem:s18], [sflag:$0x1] =	stream.indirect_vreg.gather [hbm4b:s16+s3], $0x80, v7, vm0, $0xb8;
	[tilespmem:$0x1F200] =	vst v63  }
0x86: {  	v6 =	vadd.s32 v2, v6;
	s19 =	simm.s32 $0x8380  }
0x87: {  	[tilespmem:s19], [sflag:$0x1] =	stream.indirect_vreg.gather [hbm4b:s24+s3], $0x80, v7, vm0, $0xb8;
	[tilespmem:$0x1F200] =	vst v63  }
0x88: {  	s20 =	simm.s32 $0x8B80  }
0x89: {  	[tilespmem:s20], [sflag:$0x1] =	stream.indirect_vreg.gather [hbm4b:s26+s3], $0x80, v7, vm0, $0xb8;
	[tilespmem:$0x1F200] =	vst v63  }
0x8a: {  	s21 =	simm.s32 $0x9380  }
0x8b: {  	[tilespmem:s21], [sflag:$0x1] =	stream.indirect_vreg.gather [hbm4b:s1+s3], $0x80, v6, vm0, $0xb8;
	[tilespmem:$0x1F200] =	vst v63  }
0x8c: {  	s22 =	simm.s32 $0x9B80  }
0x8d: {  	[tilespmem:s22], [sflag:$0x1] =	stream.indirect_vreg.gather [hbm4b:s12+s3], $0x80, v6, vm0, $0xb8;
	[tilespmem:$0x1F200] =	vst v63  }
0x8e: {  	s23 =	simm.s32 $0xA380  }
0x8f: {  	[tilespmem:s23], [sflag:$0x1] =	stream.indirect_vreg.gather [hbm4b:s13+s3], $0x80, v6, vm0, $0xb8;
	[tilespmem:$0x1F200] =	vst v63  }
0x90: {  	s28 =	simm.s32 $0xAB80  }
0x91: {  	[tilespmem:s28], [sflag:$0x1] =	stream.indirect_vreg.gather [hbm4b:s16+s3], $0x80, v6, vm0, $0xb8;
	[tilespmem:$0x1F200] =	vst v63  }
0x92: {  	s31 =	simm.s32 $0xB380  }
0x93: {  	[tilespmem:s31], [sflag:$0x1] =	stream.indirect_vreg.gather [hbm4b:s24+s3], $0x80, v6, vm0, $0xb8;
	[tilespmem:$0x1F200] =	vst v63  }
0x94: {  	s2 =	simm.s32 $0xBB80  }
0x95: {  	[tilespmem:s2], [sflag:$0x1] =	stream.indirect_vreg.gather [hbm4b:s26+s3], $0x80, v6, vm0, $0xb8;
	[tilespmem:$0x1F200] =	vst v63  }
0x96: {  	v6 =	vld.msk [tilespmem:$0x120], $0xff;
	_ =	sdelay $0x4  }
0x97: {  	v7 =	vshrl.u32 v6, $0x3  }
0x98: {  	v7 =	vmul.u32 $0x60, v7  }
0x99: {  	v6 =	vand.u32 $0x7, v6  }
0x9a: {  	v6 =	vor.u32 v6, v7  }
0x9b: {  	v6 =	vperm.xlane v6, v1;
	_ =	sdelay $0x1  }
0x9c: {  	v6 =	vadd.s32 v2, v6;
	_ =	sdelay $0x3  }
0x9d: {  	s5 =	simm.s32 $0xC380  }
0x9e: {  	[tilespmem:s5], [sflag:$0x1] =	stream.indirect_vreg.gather [hbm4b:s1+s3], $0x80, v6, vm0, $0xb8;
	[tilespmem:$0x1F200] =	vst v63  }
0x9f: {  	s6 =	simm.s32 $0xCB80  }
0xa0: {  	[tilespmem:s6], [sflag:$0x1] =	stream.indirect_vreg.gather [hbm4b:s12+s3], $0x80, v6, vm0, $0xb8;
	[tilespmem:$0x1F200] =	vst v63  }
0xa1: {  	s7 =	simm.s32 $0xD380  }
0xa2: {  	[tilespmem:s7], [sflag:$0x1] =	stream.indirect_vreg.gather [hbm4b:s13+s3], $0x80, v6, vm0, $0xb8;
	[tilespmem:$0x1F200] =	vst v63  }
0xa3: {  	s23 =	simm.s32 $0xDB80  }
0xa4: {  	[tilespmem:s23], [sflag:$0x1] =	stream.indirect_vreg.gather [hbm4b:s16+s3], $0x80, v6, vm0, $0xb8;
	[tilespmem:$0x1F200] =	vst v63  }
0xa5: {  	s11 =	simm.s32 $0xE380  }
0xa6: {  	[tilespmem:s11], [sflag:$0x1] =	stream.indirect_vreg.gather [hbm4b:s24+s3], $0x80, v6, vm0, $0xb8;
	[tilespmem:$0x1F200] =	vst v63  }
0xa7: {  	s29 =	simm.s32 $0xEB80;
	s2 =	simm.s32 $0x2  }
0xa8: {  	[tilespmem:s29], [sflag:$0x1] =	stream.indirect_vreg.gather [hbm4b:s26+s3], $0x80, v6, vm0, $0xb8;
	[tilespmem:$0x1F200] =	vst v63  }
0xa9: {  	_ =	swait.ge [sflag:s2], $0xF000  }
0xaa: {  	s15 =	simm.s32 @!p0 $0x6;
	[sflag:s2] =	ssyncset.done $0x0  }
0xab: {  	s20 =	simm.s32 $0xF380;
	s8 =	rddreg [dreg:$0x12];
	[sflag:s2] =	ssyncadd.s32 $0xFFFF1000  }
0xac: {  	[hbm4b:s8+s3] =	stream.linear.scatter [tilespmem:s20], [sflag:$0x4], $0xF000, $0x38;
	[tilespmem:$0x1F200] =	vst v63  }
0xad: {  	s17 =	simm.s32 @!p0 $0x200;
	_ =	swait.ge @!p0 [sflag:s15], $0x600  }
0xae: {  	s18 =	simm.s32 @!p0 $0x1EC00;
	s21 =	simm.s32 $0x4;
	[sflag:s15] =	ssyncset.done @!p0 $0x0  }
0xaf: {  	s19 =	rddreg [dreg:$0x10];
	[sflag:s15] =	ssyncadd.s32 @!p0 $0xFFFFFA00;
	s15 =	simm.s32 @!p0 $0x80  }
0xb0: {  	[hbm4b:s19+s15] =	stream.strided.scatter @!p0 [tilespmem:s18], [sflag:$0x5], $0x600, s17, s15, $0x38;
	[tilespmem:$0x1F200] =	vst v63  }
0xb1: {  	_ =	swait.ge [sflag:s21], $0xF000  }
0xb2: {  	[sflag:s21] =	ssyncset.done $0x0  }
0xb3: {  	[sflag:s21] =	ssyncadd.s32 $0xFFFF1000  }
0xb4: {  	v6 =	vld [tilespmem:$0x180];
	_ =	sdelay $0x4  }
0xb5: {  	v7 =	vshrl.u32 v6, $0x3  }
0xb6: {  	v7 =	vmul.u32 $0x60, v7  }
0xb7: {  	v6 =	vand.u32 $0x7, v6  }
0xb8: {  	v6 =	vor.u32 v6, v7  }
0xb9: {  	v7 =	vperm.xlane v6, v1;
	_ =	sdelay $0x1  }
0xba: {  	v7 =	vadd.s32 v2, v7;
	_ =	sdelay $0x4  }
0xbb: {  	[tilespmem:s20], [sflag:$0x2] =	stream.indirect_vreg.gather [hbm4b:s1+s3], $0x80, v7, vm0, $0xb8;
	[tilespmem:$0x1F200] =	vst v63  }
0xbc: {  	s14 =	simm.s32 $0xFB80  }
0xbd: {  	[tilespmem:s14], [sflag:$0x2] =	stream.indirect_vreg.gather [hbm4b:s12+s3], $0x80, v7, vm0, $0xb8;
	[tilespmem:$0x1F200] =	vst v63  }
0xbe: {  	s0 =	simm.s32 $0x10380  }
0xbf: {  	[tilespmem:s0], [sflag:$0x2] =	stream.indirect_vreg.gather [hbm4b:s13+s3], $0x80, v7, vm0, $0xb8;
	[tilespmem:$0x1F200] =	vst v63  }
0xc0: {  	s9 =	simm.s32 $0x10B80;
	v6 =	vperm.xlane v6, v3  }
0xc1: {  	[tilespmem:s9], [sflag:$0x2] =	stream.indirect_vreg.gather [hbm4b:s16+s3], $0x80, v7, vm0, $0xb8;
	[tilespmem:$0x1F200] =	vst v63  }
0xc2: {  	s5 =	simm.s32 $0x11380;
	v6 =	vadd.s32 v2, v6  }
0xc3: {  	[tilespmem:s5], [sflag:$0x2] =	stream.indirect_vreg.gather [hbm4b:s24+s3], $0x80, v7, vm0, $0xb8;
	[tilespmem:$0x1F200] =	vst v63  }
0xc4: {  	s6 =	simm.s32 $0x11B80  }
0xc5: {  	[tilespmem:s6], [sflag:$0x2] =	stream.indirect_vreg.gather [hbm4b:s26+s3], $0x80, v7, vm0, $0xb8;
	[tilespmem:$0x1F200] =	vst v63  }
0xc6: {  	s7 =	simm.s32 $0x12380  }
0xc7: {  	[tilespmem:s7], [sflag:$0x2] =	stream.indirect_vreg.gather [hbm4b:s1+s3], $0x80, v6, vm0, $0xb8;
	[tilespmem:$0x1F200] =	vst v63  }
0xc8: {  	s8 =	simm.s32 $0x12B80  }
0xc9: {  	[tilespmem:s8], [sflag:$0x2] =	stream.indirect_vreg.gather [hbm4b:s12+s3], $0x80, v6, vm0, $0xb8;
	[tilespmem:$0x1F200] =	vst v63  }
0xca: {  	s9 =	simm.s32 $0x13380  }
0xcb: {  	[tilespmem:s9], [sflag:$0x2] =	stream.indirect_vreg.gather [hbm4b:s13+s3], $0x80, v6, vm0, $0xb8;
	[tilespmem:$0x1F200] =	vst v63  }
0xcc: {  	s17 =	simm.s32 $0x13B80  }
0xcd: {  	[tilespmem:s17], [sflag:$0x2] =	stream.indirect_vreg.gather [hbm4b:s16+s3], $0x80, v6, vm0, $0xb8;
	[tilespmem:$0x1F200] =	vst v63  }
0xce: {  	s18 =	simm.s32 $0x14380  }
0xcf: {  	[tilespmem:s18], [sflag:$0x2] =	stream.indirect_vreg.gather [hbm4b:s24+s3], $0x80, v6, vm0, $0xb8;
	[tilespmem:$0x1F200] =	vst v63  }
0xd0: {  	s19 =	simm.s32 $0x14B80  }
0xd1: {  	[tilespmem:s19], [sflag:$0x2] =	stream.indirect_vreg.gather [hbm4b:s26+s3], $0x80, v6, vm0, $0xb8;
	[tilespmem:$0x1F200] =	vst v63  }
0xd2: {  	v6 =	vld [tilespmem:$0x190];
	_ =	sdelay $0x4  }
0xd3: {  	v7 =	vshrl.u32 v6, $0x3  }
0xd4: {  	v7 =	vmul.u32 $0x60, v7  }
0xd5: {  	v6 =	vand.u32 $0x7, v6  }
0xd6: {  	v6 =	vor.u32 v6, v7  }
0xd7: {  	v7 =	vperm.xlane v6, v1;
	_ =	sdelay $0x1  }
0xd8: {  	v7 =	vadd.s32 v2, v7;
	_ =	sdelay $0x3  }
0xd9: {  	s22 =	simm.s32 $0x15380  }
0xda: {  	[tilespmem:s22], [sflag:$0x2] =	stream.indirect_vreg.gather [hbm4b:s1+s3], $0x80, v7, vm0, $0xb8;
	[tilespmem:$0x1F200] =	vst v63  }
0xdb: {  	s28 =	simm.s32 $0x15B80  }
0xdc: {  	[tilespmem:s28], [sflag:$0x2] =	stream.indirect_vreg.gather [hbm4b:s12+s3], $0x80, v7, vm0, $0xb8;
	[tilespmem:$0x1F200] =	vst v63  }
0xdd: {  	s31 =	simm.s32 $0x16380  }
0xde: {  	[tilespmem:s31], [sflag:$0x2] =	stream.indirect_vreg.gather [hbm4b:s13+s3], $0x80, v7, vm0, $0xb8;
	[tilespmem:$0x1F200] =	vst v63  }
0xdf: {  	s15 =	simm.s32 $0x16B80;
	v6 =	vperm.xlane v6, v3  }
0xe0: {  	[tilespmem:s15], [sflag:$0x2] =	stream.indirect_vreg.gather [hbm4b:s16+s3], $0x80, v7, vm0, $0xb8;
	[tilespmem:$0x1F200] =	vst v63  }
0xe1: {  	v6 =	vadd.s32 v2, v6;
	s15 =	simm.s32 $0x17380  }
0xe2: {  	[tilespmem:s15], [sflag:$0x2] =	stream.indirect_vreg.gather [hbm4b:s24+s3], $0x80, v7, vm0, $0xb8;
	[tilespmem:$0x1F200] =	vst v63  }
0xe3: {  	s15 =	simm.s32 $0x17B80  }
0xe4: {  	[tilespmem:s15], [sflag:$0x2] =	stream.indirect_vreg.gather [hbm4b:s26+s3], $0x80, v7, vm0, $0xb8;
	[tilespmem:$0x1F200] =	vst v63  }
0xe5: {  	s15 =	simm.s32 $0x18380  }
0xe6: {  	[tilespmem:s15], [sflag:$0x2] =	stream.indirect_vreg.gather [hbm4b:s1+s3], $0x80, v6, vm0, $0xb8;
	[tilespmem:$0x1F200] =	vst v63  }
0xe7: {  	s15 =	simm.s32 $0x18B80  }
0xe8: {  	[tilespmem:s15], [sflag:$0x2] =	stream.indirect_vreg.gather [hbm4b:s12+s3], $0x80, v6, vm0, $0xb8;
	[tilespmem:$0x1F200] =	vst v63  }
0xe9: {  	s15 =	simm.s32 $0x19380  }
0xea: {  	[tilespmem:s15], [sflag:$0x2] =	stream.indirect_vreg.gather [hbm4b:s13+s3], $0x80, v6, vm0, $0xb8;
	[tilespmem:$0x1F200] =	vst v63  }
0xeb: {  	s15 =	simm.s32 $0x19B80  }
0xec: {  	[tilespmem:s15], [sflag:$0x2] =	stream.indirect_vreg.gather [hbm4b:s16+s3], $0x80, v6, vm0, $0xb8;
	[tilespmem:$0x1F200] =	vst v63  }
0xed: {  	s15 =	simm.s32 $0x1A380  }
0xee: {  	[tilespmem:s15], [sflag:$0x2] =	stream.indirect_vreg.gather [hbm4b:s24+s3], $0x80, v6, vm0, $0xb8;
	[tilespmem:$0x1F200] =	vst v63  }
0xef: {  	s15 =	simm.s32 $0x1AB80  }
0xf0: {  	[tilespmem:s15], [sflag:$0x2] =	stream.indirect_vreg.gather [hbm4b:s26+s3], $0x80, v6, vm0, $0xb8;
	[tilespmem:$0x1F200] =	vst v63  }
0xf1: {  	v6 =	vld.msk [tilespmem:$0x1A0], $0xff;
	_ =	sdelay $0x4  }
0xf2: {  	v7 =	vshrl.u32 v6, $0x3  }
0xf3: {  	v7 =	vmul.u32 $0x60, v7  }
0xf4: {  	v6 =	vand.u32 $0x7, v6  }
0xf5: {  	v6 =	vor.u32 v6, v7  }
0xf6: {  	v6 =	vperm.xlane v6, v1;
	_ =	sdelay $0x1  }
0xf7: {  	v6 =	vadd.s32 v2, v6;
	_ =	sdelay $0x3  }
0xf8: {  	s15 =	simm.s32 $0x1B380  }
0xf9: {  	[tilespmem:s15], [sflag:$0x2] =	stream.indirect_vreg.gather [hbm4b:s1+s3], $0x80, v6, vm0, $0xb8;
	[tilespmem:$0x1F200] =	vst v63  }
0xfa: {  	s15 =	simm.s32 $0x1BB80  }
0xfb: {  	[tilespmem:s15], [sflag:$0x2] =	stream.indirect_vreg.gather [hbm4b:s12+s3], $0x80, v6, vm0, $0xb8;
	[tilespmem:$0x1F200] =	vst v63  }
0xfc: {  	s15 =	simm.s32 $0x1C380  }
0xfd: {  	[tilespmem:s15], [sflag:$0x2] =	stream.indirect_vreg.gather [hbm4b:s13+s3], $0x80, v6, vm0, $0xb8;
	[tilespmem:$0x1F200] =	vst v63  }
0xfe: {  	s15 =	simm.s32 $0x1CB80  }
0xff: {  	[tilespmem:s15], [sflag:$0x2] =	stream.indirect_vreg.gather [hbm4b:s16+s3], $0x80, v6, vm0, $0xb8;
	[tilespmem:$0x1F200] =	vst v63  }
0x100: {  	s15 =	simm.s32 $0x1D380  }
0x101: {  	[tilespmem:s15], [sflag:$0x2] =	stream.indirect_vreg.gather [hbm4b:s24+s3], $0x80, v6, vm0, $0xb8;
	[tilespmem:$0x1F200] =	vst v63  }
0x102: {  	s30 =	simm.s32 $0x1;
	s15 =	simm.s32 $0x1DB80  }
0x103: {  	[tilespmem:s15], [sflag:$0x2] =	stream.indirect_vreg.gather [hbm4b:s26+s3], $0x80, v6, vm0, $0xb8;
	[tilespmem:$0x1F200] =	vst v63  }
0x104: {  	_ =	swait.ge [sflag:s30], $0xF000  }
0x105: {  	[sflag:s30] =	ssyncset.done $0x0  }
0x106: {  	s25 =	simm.s32 $0x380;
	s15 =	rddreg [dreg:$0x13];
	[sflag:s30] =	ssyncadd.s32 $0xFFFF1000  }
0x107: {  	[hbm4b:s15+s3] =	stream.linear.scatter [tilespmem:s25], [sflag:$0x3], $0xF000, $0x38;
	[tilespmem:$0x1F200] =	vst v63  }
0x108: {  	_ =	swait.ge [sflag:s10], $0xF000  }
0x109: {  	[sflag:s10] =	ssyncset.done $0x0  }
0x10a: {  	[sflag:s10] =	ssyncadd.s32 $0xFFFF1000  }
0x10b: {  	v6 =	vld [tilespmem:$0x200];
	_ =	sdelay $0x4  }
0x10c: {  	v7 =	vshrl.u32 v6, $0x3  }
0x10d: {  	v7 =	vmul.u32 $0x60, v7  }
0x10e: {  	v6 =	vand.u32 $0x7, v6  }
0x10f: {  	v6 =	vor.u32 v6, v7  }
0x110: {  	v7 =	vperm.xlane v6, v1;
	_ =	sdelay $0x1  }
0x111: {  	v7 =	vadd.s32 v2, v7;
	_ =	sdelay $0x4  }
0x112: {  	[tilespmem:s25], [sflag:$0x1] =	stream.indirect_vreg.gather [hbm4b:s1+s3], $0x80, v7, vm0, $0xb8;
	[tilespmem:$0x1F200] =	vst v63  }
0x113: {  	s15 =	simm.s32 $0xB80  }
0x114: {  	[tilespmem:s15], [sflag:$0x1] =	stream.indirect_vreg.gather [hbm4b:s12+s3], $0x80, v7, vm0, $0xb8;
	[tilespmem:$0x1F200] =	vst v63  }
0x115: {  	s15 =	simm.s32 $0x1380  }
0x116: {  	[tilespmem:s15], [sflag:$0x1] =	stream.indirect_vreg.gather [hbm4b:s13+s3], $0x80, v7, vm0, $0xb8;
	[tilespmem:$0x1F200] =	vst v63  }
0x117: {  	v6 =	vperm.xlane v6, v3;
	s15 =	simm.s32 $0x1B80  }
0x118: {  	[tilespmem:s15], [sflag:$0x1] =	stream.indirect_vreg.gather [hbm4b:s16+s3], $0x80, v7, vm0, $0xb8;
	[tilespmem:$0x1F200] =	vst v63  }
0x119: {  	v6 =	vadd.s32 v2, v6;
	s15 =	simm.s32 $0x2380  }
0x11a: {  	[tilespmem:s15], [sflag:$0x1] =	stream.indirect_vreg.gather [hbm4b:s24+s3], $0x80, v7, vm0, $0xb8;
	[tilespmem:$0x1F200] =	vst v63  }
0x11b: {  	s15 =	simm.s32 $0x2B80  }
0x11c: {  	[tilespmem:s15], [sflag:$0x1] =	stream.indirect_vreg.gather [hbm4b:s26+s3], $0x80, v7, vm0, $0xb8;
	[tilespmem:$0x1F200] =	vst v63  }
0x11d: {  	s15 =	simm.s32 $0x3380  }
0x11e: {  	[tilespmem:s15], [sflag:$0x1] =	stream.indirect_vreg.gather [hbm4b:s1+s3], $0x80, v6, vm0, $0xb8;
	[tilespmem:$0x1F200] =	vst v63  }
0x11f: {  	s15 =	simm.s32 $0x3B80  }
0x120: {  	[tilespmem:s15], [sflag:$0x1] =	stream.indirect_vreg.gather [hbm4b:s12+s3], $0x80, v6, vm0, $0xb8;
	[tilespmem:$0x1F200] =	vst v63  }
0x121: {  	s15 =	simm.s32 $0x4380  }
0x122: {  	[tilespmem:s15], [sflag:$0x1] =	stream.indirect_vreg.gather [hbm4b:s13+s3], $0x80, v6, vm0, $0xb8;
	[tilespmem:$0x1F200] =	vst v63  }
0x123: {  	s15 =	simm.s32 $0x4B80  }
0x124: {  	[tilespmem:s15], [sflag:$0x1] =	stream.indirect_vreg.gather [hbm4b:s16+s3], $0x80, v6, vm0, $0xb8;
	[tilespmem:$0x1F200] =	vst v63  }
0x125: {  	s15 =	simm.s32 $0x5380  }
0x126: {  	[tilespmem:s15], [sflag:$0x1] =	stream.indirect_vreg.gather [hbm4b:s24+s3], $0x80, v6, vm0, $0xb8;
	[tilespmem:$0x1F200] =	vst v63  }
0x127: {  	s15 =	simm.s32 $0x5B80  }
0x128: {  	[tilespmem:s15], [sflag:$0x1] =	stream.indirect_vreg.gather [hbm4b:s26+s3], $0x80, v6, vm0, $0xb8;
	[tilespmem:$0x1F200] =	vst v63  }
0x129: {  	v6 =	vld [tilespmem:$0x210];
	_ =	sdelay $0x4  }
0x12a: {  	v7 =	vshrl.u32 v6, $0x3  }
0x12b: {  	v7 =	vmul.u32 $0x60, v7  }
0x12c: {  	v6 =	vand.u32 $0x7, v6  }
0x12d: {  	v6 =	vor.u32 v6, v7  }
0x12e: {  	v7 =	vperm.xlane v6, v1;
	_ =	sdelay $0x1  }
0x12f: {  	v7 =	vadd.s32 v2, v7;
	_ =	sdelay $0x3  }
0x130: {  	s15 =	simm.s32 $0x6380  }
0x131: {  	[tilespmem:s15], [sflag:$0x1] =	stream.indirect_vreg.gather [hbm4b:s1+s3], $0x80, v7, vm0, $0xb8;
	[tilespmem:$0x1F200] =	vst v63  }
0x132: {  	s15 =	simm.s32 $0x6B80  }
0x133: {  	[tilespmem:s15], [sflag:$0x1] =	stream.indirect_vreg.gather [hbm4b:s12+s3], $0x80, v7, vm0, $0xb8;
	[tilespmem:$0x1F200] =	vst v63  }
0x134: {  	s15 =	simm.s32 $0x7380  }
0x135: {  	[tilespmem:s15], [sflag:$0x1] =	stream.indirect_vreg.gather [hbm4b:s13+s3], $0x80, v7, vm0, $0xb8;
	[tilespmem:$0x1F200] =	vst v63  }
0x136: {  	v6 =	vperm.xlane v6, v3;
	s15 =	simm.s32 $0x7B80  }
0x137: {  	[tilespmem:s15], [sflag:$0x1] =	stream.indirect_vreg.gather [hbm4b:s16+s3], $0x80, v7, vm0, $0xb8;
	[tilespmem:$0x1F200] =	vst v63  }
0x138: {  	v6 =	vadd.s32 v2, v6;
	s15 =	simm.s32 $0x8380  }
0x139: {  	[tilespmem:s15], [sflag:$0x1] =	stream.indirect_vreg.gather [hbm4b:s24+s3], $0x80, v7, vm0, $0xb8;
	[tilespmem:$0x1F200] =	vst v63  }
0x13a: {  	s15 =	simm.s32 $0x8B80  }
0x13b: {  	[tilespmem:s15], [sflag:$0x1] =	stream.indirect_vreg.gather [hbm4b:s26+s3], $0x80, v7, vm0, $0xb8;
	[tilespmem:$0x1F200] =	vst v63  }
0x13c: {  	s15 =	simm.s32 $0x9380  }
0x13d: {  	[tilespmem:s15], [sflag:$0x1] =	stream.indirect_vreg.gather [hbm4b:s1+s3], $0x80, v6, vm0, $0xb8;
	[tilespmem:$0x1F200] =	vst v63  }
0x13e: {  	s15 =	simm.s32 $0x9B80  }
0x13f: {  	[tilespmem:s15], [sflag:$0x1] =	stream.indirect_vreg.gather [hbm4b:s12+s3], $0x80, v6, vm0, $0xb8;
	[tilespmem:$0x1F200] =	vst v63  }
0x140: {  	s15 =	simm.s32 $0xA380  }
0x141: {  	[tilespmem:s15], [sflag:$0x1] =	stream.indirect_vreg.gather [hbm4b:s13+s3], $0x80, v6, vm0, $0xb8;
	[tilespmem:$0x1F200] =	vst v63  }
0x142: {  	s15 =	simm.s32 $0xAB80  }
0x143: {  	[tilespmem:s15], [sflag:$0x1] =	stream.indirect_vreg.gather [hbm4b:s16+s3], $0x80, v6, vm0, $0xb8;
	[tilespmem:$0x1F200] =	vst v63  }
0x144: {  	s15 =	simm.s32 $0xB380  }
0x145: {  	[tilespmem:s15], [sflag:$0x1] =	stream.indirect_vreg.gather [hbm4b:s24+s3], $0x80, v6, vm0, $0xb8;
	[tilespmem:$0x1F200] =	vst v63  }
0x146: {  	s15 =	simm.s32 $0xBB80  }
0x147: {  	[tilespmem:s15], [sflag:$0x1] =	stream.indirect_vreg.gather [hbm4b:s26+s3], $0x80, v6, vm0, $0xb8;
	[tilespmem:$0x1F200] =	vst v63  }
0x148: {  	v6 =	vld.msk [tilespmem:$0x220], $0xff;
	_ =	sdelay $0x4  }
0x149: {  	v7 =	vshrl.u32 v6, $0x3  }
0x14a: {  	v7 =	vmul.u32 $0x60, v7  }
0x14b: {  	v6 =	vand.u32 $0x7, v6  }
0x14c: {  	v6 =	vor.u32 v6, v7  }
0x14d: {  	v6 =	vperm.xlane v6, v1;
	_ =	sdelay $0x1  }
0x14e: {  	v6 =	vadd.s32 v2, v6;
	_ =	sdelay $0x3  }
0x14f: {  	s15 =	simm.s32 $0xC380  }
0x150: {  	[tilespmem:s15], [sflag:$0x1] =	stream.indirect_vreg.gather [hbm4b:s1+s3], $0x80, v6, vm0, $0xb8;
	[tilespmem:$0x1F200] =	vst v63  }
0x151: {  	s15 =	simm.s32 $0xCB80  }
0x152: {  	[tilespmem:s15], [sflag:$0x1] =	stream.indirect_vreg.gather [hbm4b:s12+s3], $0x80, v6, vm0, $0xb8;
	[tilespmem:$0x1F200] =	vst v63  }
0x153: {  	s15 =	simm.s32 $0xD380  }
0x154: {  	[tilespmem:s15], [sflag:$0x1] =	stream.indirect_vreg.gather [hbm4b:s13+s3], $0x80, v6, vm0, $0xb8;
	[tilespmem:$0x1F200] =	vst v63  }
0x155: {  	_ = 	snop  }
0x156: {  	[tilespmem:s23], [sflag:$0x1] =	stream.indirect_vreg.gather [hbm4b:s16+s3], $0x80, v6, vm0, $0xb8;
	[tilespmem:$0x1F200] =	vst v63  }
0x157: {  	_ = 	snop  }
0x158: {  	[tilespmem:s11], [sflag:$0x1] =	stream.indirect_vreg.gather [hbm4b:s24+s3], $0x80, v6, vm0, $0xb8;
	[tilespmem:$0x1F200] =	vst v63  }
0x159: {  	_ = 	snop  }
0x15a: {  	[tilespmem:s29], [sflag:$0x1] =	stream.indirect_vreg.gather [hbm4b:s26+s3], $0x80, v6, vm0, $0xb8;
	[tilespmem:$0x1F200] =	vst v63  }
0x15b: {  	_ =	swait.ge [sflag:s2], $0xF000  }
0x15c: {  	[sflag:s2] =	ssyncset.done $0x0  }
0x15d: {  	s15 =	rddreg [dreg:$0x14];
	[sflag:s2] =	ssyncadd.s32 $0xFFFF1000  }
0x15e: {  	[hbm4b:s15+s3] =	stream.linear.scatter [tilespmem:s20], [sflag:$0x4], $0xF000, $0x38;
	[tilespmem:$0x1F200] =	vst v63  }
0x15f: {  	_ =	swait.ge [sflag:s21], $0xF000  }
0x160: {  	[sflag:s21] =	ssyncset.done $0x0  }
0x161: {  	[sflag:s21] =	ssyncadd.s32 $0xFFFF1000  }
0x162: {  	v6 =	vld [tilespmem:$0x280];
	_ =	sdelay $0x4  }
0x163: {  	v7 =	vshrl.u32 v6, $0x3  }
0x164: {  	v7 =	vmul.u32 $0x60, v7  }
0x165: {  	v6 =	vand.u32 $0x7, v6  }
0x166: {  	v6 =	vor.u32 v6, v7  }
0x167: {  	v7 =	vperm.xlane v6, v1;
	_ =	sdelay $0x1  }
0x168: {  	v7 =	vadd.s32 v2, v7;
	_ =	sdelay $0x4  }
0x169: {  	[tilespmem:s20], [sflag:$0x2] =	stream.indirect_vreg.gather [hbm4b:s1+s3], $0x80, v7, vm0, $0xb8;
	[tilespmem:$0x1F200] =	vst v63  }
0x16a: {  	_ = 	snop  }
0x16b: {  	[tilespmem:s14], [sflag:$0x2] =	stream.indirect_vreg.gather [hbm4b:s12+s3], $0x80, v7, vm0, $0xb8;
	[tilespmem:$0x1F200] =	vst v63  }
0x16c: {  	_ = 	snop  }
0x16d: {  	[tilespmem:s0], [sflag:$0x2] =	stream.indirect_vreg.gather [hbm4b:s13+s3], $0x80, v7, vm0, $0xb8;
	[tilespmem:$0x1F200] =	vst v63  }
0x16e: {  	s15 =	simm.s32 $0x10B80;
	v6 =	vperm.xlane v6, v3  }
0x16f: {  	[tilespmem:s15], [sflag:$0x2] =	stream.indirect_vreg.gather [hbm4b:s16+s3], $0x80, v7, vm0, $0xb8;
	[tilespmem:$0x1F200] =	vst v63  }
0x170: {  	v6 =	vadd.s32 v2, v6  }
0x171: {  	[tilespmem:s5], [sflag:$0x2] =	stream.indirect_vreg.gather [hbm4b:s24+s3], $0x80, v7, vm0, $0xb8;
	[tilespmem:$0x1F200] =	vst v63  }
0x172: {  	_ = 	snop  }
0x173: {  	[tilespmem:s6], [sflag:$0x2] =	stream.indirect_vreg.gather [hbm4b:s26+s3], $0x80, v7, vm0, $0xb8;
	[tilespmem:$0x1F200] =	vst v63  }
0x174: {  	_ = 	snop  }
0x175: {  	[tilespmem:s7], [sflag:$0x2] =	stream.indirect_vreg.gather [hbm4b:s1+s3], $0x80, v6, vm0, $0xb8;
	[tilespmem:$0x1F200] =	vst v63  }
0x176: {  	_ = 	snop  }
0x177: {  	[tilespmem:s8], [sflag:$0x2] =	stream.indirect_vreg.gather [hbm4b:s12+s3], $0x80, v6, vm0, $0xb8;
	[tilespmem:$0x1F200] =	vst v63  }
0x178: {  	_ = 	snop  }
0x179: {  	[tilespmem:s9], [sflag:$0x2] =	stream.indirect_vreg.gather [hbm4b:s13+s3], $0x80, v6, vm0, $0xb8;
	[tilespmem:$0x1F200] =	vst v63  }
0x17a: {  	_ = 	snop  }
0x17b: {  	[tilespmem:s17], [sflag:$0x2] =	stream.indirect_vreg.gather [hbm4b:s16+s3], $0x80, v6, vm0, $0xb8;
	[tilespmem:$0x1F200] =	vst v63  }
0x17c: {  	_ = 	snop  }
0x17d: {  	[tilespmem:s18], [sflag:$0x2] =	stream.indirect_vreg.gather [hbm4b:s24+s3], $0x80, v6, vm0, $0xb8;
	[tilespmem:$0x1F200] =	vst v63  }
0x17e: {  	_ = 	snop  }
0x17f: {  	[tilespmem:s19], [sflag:$0x2] =	stream.indirect_vreg.gather [hbm4b:s26+s3], $0x80, v6, vm0, $0xb8;
	[tilespmem:$0x1F200] =	vst v63  }
0x180: {  	v6 =	vld [tilespmem:$0x290];
	_ =	sdelay $0x4  }
0x181: {  	v7 =	vshrl.u32 v6, $0x3  }
0x182: {  	v7 =	vmul.u32 $0x60, v7  }
0x183: {  	v6 =	vand.u32 $0x7, v6  }
0x184: {  	v6 =	vor.u32 v6, v7  }
0x185: {  	v7 =	vperm.xlane v6, v1;
	_ =	sdelay $0x1  }
0x186: {  	v7 =	vadd.s32 v2, v7;
	_ =	sdelay $0x4  }
0x187: {  	[tilespmem:s22], [sflag:$0x2] =	stream.indirect_vreg.gather [hbm4b:s1+s3], $0x80, v7, vm0, $0xb8;
	[tilespmem:$0x1F200] =	vst v63  }
0x188: {  	_ = 	snop  }
0x189: {  	[tilespmem:s28], [sflag:$0x2] =	stream.indirect_vreg.gather [hbm4b:s12+s3], $0x80, v7, vm0, $0xb8;
	[tilespmem:$0x1F200] =	vst v63  }
0x18a: {  	_ = 	snop  }
0x18b: {  	[tilespmem:s31], [sflag:$0x2] =	stream.indirect_vreg.gather [hbm4b:s13+s3], $0x80, v7, vm0, $0xb8;
	[tilespmem:$0x1F200] =	vst v63  }
0x18c: {  	s18 =	simm.s32 $0x16B80;
	v6 =	vperm.xlane v6, v3  }
0x18d: {  	[tilespmem:s18], [sflag:$0x2] =	stream.indirect_vreg.gather [hbm4b:s16+s3], $0x80, v7, vm0, $0xb8;
	[tilespmem:$0x1F200] =	vst v63  }
0x18e: {  	s19 =	simm.s32 $0x17380;
	v6 =	vadd.s32 v2, v6  }
0x18f: {  	[tilespmem:s19], [sflag:$0x2] =	stream.indirect_vreg.gather [hbm4b:s24+s3], $0x80, v7, vm0, $0xb8;
	[tilespmem:$0x1F200] =	vst v63  }
0x190: {  	s22 =	simm.s32 $0x17B80  }
0x191: {  	[tilespmem:s22], [sflag:$0x2] =	stream.indirect_vreg.gather [hbm4b:s26+s3], $0x80, v7, vm0, $0xb8;
	[tilespmem:$0x1F200] =	vst v63  }
0x192: {  	s28 =	simm.s32 $0x18380  }
0x193: {  	[tilespmem:s28], [sflag:$0x2] =	stream.indirect_vreg.gather [hbm4b:s1+s3], $0x80, v6, vm0, $0xb8;
	[tilespmem:$0x1F200] =	vst v63  }
0x194: {  	s31 =	simm.s32 $0x18B80  }
0x195: {  	[tilespmem:s31], [sflag:$0x2] =	stream.indirect_vreg.gather [hbm4b:s12+s3], $0x80, v6, vm0, $0xb8;
	[tilespmem:$0x1F200] =	vst v63  }
0x196: {  	s5 =	simm.s32 $0x19380  }
0x197: {  	[tilespmem:s5], [sflag:$0x2] =	stream.indirect_vreg.gather [hbm4b:s13+s3], $0x80, v6, vm0, $0xb8;
	[tilespmem:$0x1F200] =	vst v63  }
0x198: {  	s6 =	simm.s32 $0x19B80  }
0x199: {  	[tilespmem:s6], [sflag:$0x2] =	stream.indirect_vreg.gather [hbm4b:s16+s3], $0x80, v6, vm0, $0xb8;
	[tilespmem:$0x1F200] =	vst v63  }
0x19a: {  	s7 =	simm.s32 $0x1A380  }
0x19b: {  	[tilespmem:s7], [sflag:$0x2] =	stream.indirect_vreg.gather [hbm4b:s24+s3], $0x80, v6, vm0, $0xb8;
	[tilespmem:$0x1F200] =	vst v63  }
0x19c: {  	s8 =	simm.s32 $0x1AB80  }
0x19d: {  	[tilespmem:s8], [sflag:$0x2] =	stream.indirect_vreg.gather [hbm4b:s26+s3], $0x80, v6, vm0, $0xb8;
	[tilespmem:$0x1F200] =	vst v63  }
0x19e: {  	v6 =	vld.msk [tilespmem:$0x2A0], $0xff;
	_ =	sdelay $0x4  }
0x19f: {  	v7 =	vshrl.u32 v6, $0x3  }
0x1a0: {  	v7 =	vmul.u32 $0x60, v7  }
0x1a1: {  	v6 =	vand.u32 $0x7, v6  }
0x1a2: {  	v6 =	vor.u32 v6, v7  }
0x1a3: {  	v6 =	vperm.xlane v6, v1;
	_ =	sdelay $0x1  }
0x1a4: {  	v6 =	vadd.s32 v2, v6;
	_ =	sdelay $0x3  }
0x1a5: {  	s9 =	simm.s32 $0x1B380  }
0x1a6: {  	[tilespmem:s9], [sflag:$0x2] =	stream.indirect_vreg.gather [hbm4b:s1+s3], $0x80, v6, vm0, $0xb8;
	[tilespmem:$0x1F200] =	vst v63  }
0x1a7: {  	s14 =	simm.s32 $0x1BB80  }
0x1a8: {  	[tilespmem:s14], [sflag:$0x2] =	stream.indirect_vreg.gather [hbm4b:s12+s3], $0x80, v6, vm0, $0xb8;
	[tilespmem:$0x1F200] =	vst v63  }
0x1a9: {  	s15 =	simm.s32 $0x1C380  }
0x1aa: {  	[tilespmem:s15], [sflag:$0x2] =	stream.indirect_vreg.gather [hbm4b:s13+s3], $0x80, v6, vm0, $0xb8;
	[tilespmem:$0x1F200] =	vst v63  }
0x1ab: {  	s17 =	simm.s32 $0x1CB80  }
0x1ac: {  	[tilespmem:s17], [sflag:$0x2] =	stream.indirect_vreg.gather [hbm4b:s16+s3], $0x80, v6, vm0, $0xb8;
	[tilespmem:$0x1F200] =	vst v63  }
0x1ad: {  	s18 =	simm.s32 $0x1D380  }
0x1ae: {  	[tilespmem:s18], [sflag:$0x2] =	stream.indirect_vreg.gather [hbm4b:s24+s3], $0x80, v6, vm0, $0xb8;
	[tilespmem:$0x1F200] =	vst v63  }
0x1af: {  	s19 =	simm.s32 $0x1DB80  }
0x1b0: {  	[tilespmem:s19], [sflag:$0x2] =	stream.indirect_vreg.gather [hbm4b:s26+s3], $0x80, v6, vm0, $0xb8;
	[tilespmem:$0x1F200] =	vst v63  }
0x1b1: {  	_ =	swait.ge [sflag:s30], $0xF000  }
0x1b2: {  	[sflag:s30] =	ssyncset.done $0x0  }
0x1b3: {  	s22 =	rddreg [dreg:$0x15];
	[sflag:s30] =	ssyncadd.s32 $0xFFFF1000  }
0x1b4: {  	[hbm4b:s22+s3] =	stream.linear.scatter [tilespmem:s25], [sflag:$0x3], $0xF000, $0x38;
	[tilespmem:$0x1F200] =	vst v63  }
0x1b5: {  	_ =	swait.ge [sflag:s10], $0xF000  }
0x1b6: {  	[sflag:s10] =	ssyncset.done $0x0  }
0x1b7: {  	[sflag:s10] =	ssyncadd.s32 $0xFFFF1000  }
0x1b8: {  	v6 =	vld [tilespmem:$0x300];
	_ =	sdelay $0x4  }
0x1b9: {  	v7 =	vshrl.u32 v6, $0x3  }
0x1ba: {  	v7 =	vmul.u32 $0x60, v7  }
0x1bb: {  	v6 =	vand.u32 $0x7, v6  }
0x1bc: {  	v6 =	vor.u32 v6, v7  }
0x1bd: {  	v7 =	vperm.xlane v6, v1;
	_ =	sdelay $0x1  }
0x1be: {  	v7 =	vadd.s32 v2, v7;
	_ =	sdelay $0x4  }
0x1bf: {  	[tilespmem:s25], [sflag:$0x1] =	stream.indirect_vreg.gather [hbm4b:s1+s3], $0x80, v7, vm0, $0xb8;
	[tilespmem:$0x1F200] =	vst v63  }
0x1c0: {  	s28 =	simm.s32 $0xB80  }
0x1c1: {  	[tilespmem:s28], [sflag:$0x1] =	stream.indirect_vreg.gather [hbm4b:s12+s3], $0x80, v7, vm0, $0xb8;
	[tilespmem:$0x1F200] =	vst v63  }
0x1c2: {  	s6 =	simm.s32 $0x1380  }
0x1c3: {  	[tilespmem:s6], [sflag:$0x1] =	stream.indirect_vreg.gather [hbm4b:s13+s3], $0x80, v7, vm0, $0xb8;
	[tilespmem:$0x1F200] =	vst v63  }
0x1c4: {  	s31 =	simm.s32 $0x1B80;
	v6 =	vperm.xlane v6, v3  }
0x1c5: {  	[tilespmem:s31], [sflag:$0x1] =	stream.indirect_vreg.gather [hbm4b:s16+s3], $0x80, v7, vm0, $0xb8;
	[tilespmem:$0x1F200] =	vst v63  }
0x1c6: {  	s7 =	simm.s32 $0x2380;
	v6 =	vadd.s32 v2, v6  }
0x1c7: {  	[tilespmem:s7], [sflag:$0x1] =	stream.indirect_vreg.gather [hbm4b:s24+s3], $0x80, v7, vm0, $0xb8;
	[tilespmem:$0x1F200] =	vst v63  }
0x1c8: {  	s8 =	simm.s32 $0x2B80  }
0x1c9: {  	[tilespmem:s8], [sflag:$0x1] =	stream.indirect_vreg.gather [hbm4b:s26+s3], $0x80, v7, vm0, $0xb8;
	[tilespmem:$0x1F200] =	vst v63  }
0x1ca: {  	s9 =	simm.s32 $0x3380  }
0x1cb: {  	[tilespmem:s9], [sflag:$0x1] =	stream.indirect_vreg.gather [hbm4b:s1+s3], $0x80, v6, vm0, $0xb8;
	[tilespmem:$0x1F200] =	vst v63  }
0x1cc: {  	s14 =	simm.s32 $0x3B80  }
0x1cd: {  	[tilespmem:s14], [sflag:$0x1] =	stream.indirect_vreg.gather [hbm4b:s12+s3], $0x80, v6, vm0, $0xb8;
	[tilespmem:$0x1F200] =	vst v63  }
0x1ce: {  	s15 =	simm.s32 $0x4380  }
0x1cf: {  	[tilespmem:s15], [sflag:$0x1] =	stream.indirect_vreg.gather [hbm4b:s13+s3], $0x80, v6, vm0, $0xb8;
	[tilespmem:$0x1F200] =	vst v63  }
0x1d0: {  	s17 =	simm.s32 $0x4B80  }
0x1d1: {  	[tilespmem:s17], [sflag:$0x1] =	stream.indirect_vreg.gather [hbm4b:s16+s3], $0x80, v6, vm0, $0xb8;
	[tilespmem:$0x1F200] =	vst v63  }
0x1d2: {  	s18 =	simm.s32 $0x5380  }
0x1d3: {  	[tilespmem:s18], [sflag:$0x1] =	stream.indirect_vreg.gather [hbm4b:s24+s3], $0x80, v6, vm0, $0xb8;
	[tilespmem:$0x1F200] =	vst v63  }
0x1d4: {  	s19 =	simm.s32 $0x5B80  }
0x1d5: {  	[tilespmem:s19], [sflag:$0x1] =	stream.indirect_vreg.gather [hbm4b:s26+s3], $0x80, v6, vm0, $0xb8;
	[tilespmem:$0x1F200] =	vst v63  }
0x1d6: {  	_ =	swait.ge [sflag:s2], $0xF000  }
0x1d7: {  	[sflag:s2] =	ssyncset.done $0x0  }
0x1d8: {  	s22 =	rddreg [dreg:$0x16];
	[sflag:s2] =	ssyncadd.s32 $0xFFFF1000  }
0x1d9: {  	[hbm4b:s22+s3] =	stream.linear.scatter [tilespmem:s20], [sflag:$0x4], $0xF000, $0x38;
	[tilespmem:$0x1F200] =	vst v63  }
0x1da: {  	_ =	swait.ge [sflag:s30], $0x6000  }
0x1db: {  	[sflag:s30] =	ssyncset.done $0x0  }
0x1dc: {  	s28 =	rddreg [dreg:$0x17];
	[sflag:s30] =	ssyncadd.s32 $0xFFFFA000  }
0x1dd: {  	[hbm4b:s28+s3] =	stream.linear.scatter [tilespmem:s25], [sflag:$0x3], $0x6000, $0x38;
	[tilespmem:$0x1F200] =	vst v63  }
0x1de: {  	_ =	swait.ge [sflag:s10], $0x6000  }
0x1df: {  	[sflag:s10] =	ssyncset.done $0x0  }
0x1e0: {  	[sflag:s10] =	ssyncadd.s32 $0xFFFFA000  }
0x1e1: {  	_ =	swait.ge [sflag:s21], $0xF000  }
0x1e2: {  	[sflag:s21] =	ssyncset.done $0x0  }
0x1e3: {  	s15 =	simm.s32 @!p0 $0x5;
	[sflag:s21] =	ssyncadd.s32 $0xFFFF1000  }
0x1e4: {  	_ =	swait.ge @!p0 [sflag:s15], $0x600  }
0x1e5: {  	s4 =	sadd.s32 $0x1, s4;
	s31 =	rddreg [dreg:$0x18]  }
0x1e6: {  	p1 =	sne.s32 s4, s31  }
.Ltmp1:
0x1e7: {  	_ = 	snop;
	(pc) =	sbr.rel @!p1 .LBB2_10-.Ltmp1, $3  }
0x1e8: {  	_ =	sdelay $0x1  }
0x1e9: {  	s14 =	simm.s32 $0xF380;
	[sflag:s15] =	ssyncset.done @!p0 $0x0  }
0x1ea: {  	s30 =	simm.s32 $0x8B80;
	s21 =	simm.s32 $0x8380;
	[sflag:s15] =	ssyncadd.s32 @!p0 $0xFFFFFA00  }
.LBB2_1:
0x1eb: {  	s15 =	rddreg [dreg:$0x7]  }
0x1ec: {  	[tilespmem:s3], [sflag:$0x7] =	stream.linear.gather [hbm4b:s15+s3], $0x28, $0x38;
	[tilespmem:$0x1F200] =	vst v63  }
0x1ed: {  	s22 =	rddreg [dreg:$0x8];
	s17 =	simm.s32 $0x80  }
0x1ee: {  	[tilespmem:s17], [sflag:$0x7] =	stream.linear.gather [hbm4b:s22+s3], $0x28, $0x38;
	[tilespmem:$0x1F200] =	vst v63  }
0x1ef: {  	s28 =	rddreg [dreg:$0x9];
	s31 =	simm.s32 $0x100  }
0x1f0: {  	[tilespmem:s31], [sflag:$0x7] =	stream.linear.gather [hbm4b:s28+s3], $0x28, $0x38;
	[tilespmem:$0x1F200] =	vst v63  }
0x1f1: {  	s0 =	rddreg [dreg:$0xa];
	s2 =	simm.s32 $0x180  }
0x1f2: {  	[tilespmem:s2], [sflag:$0x7] =	stream.linear.gather [hbm4b:s0+s3], $0x28, $0x38;
	[tilespmem:$0x1F200] =	vst v63  }
0x1f3: {  	s10 =	smov.u32 s4;
	s4 =	rddreg [dreg:$0xb];
	s5 =	simm.s32 $0x200  }
0x1f4: {  	[tilespmem:s5], [sflag:$0x7] =	stream.linear.gather [hbm4b:s4+s3], $0x28, $0x38;
	[tilespmem:$0x1F200] =	vst v63  }
0x1f5: {  	s6 =	rddreg [dreg:$0xc];
	s7 =	simm.s32 $0x280  }
0x1f6: {  	[tilespmem:s7], [sflag:$0x7] =	stream.linear.gather [hbm4b:s6+s3], $0x28, $0x38;
	[tilespmem:$0x1F200] =	vst v63  }
0x1f7: {  	s8 =	rddreg [dreg:$0xd];
	s9 =	simm.s32 $0x300;
	s0 =	simm.s32 $0x7  }
0x1f8: {  	[tilespmem:s9], [sflag:$0x7] =	stream.linear.gather [hbm4b:s8+s3], $0x10, $0x38;
	[tilespmem:$0x1F200] =	vst v63  }
0x1f9: {  	_ =	swait.ge [sflag:s0], $0x28  }
0x1fa: {  	[sflag:s0] =	ssyncset.done $0x0  }
0x1fb: {  	[sflag:s0] =	ssyncadd.s32 $0xFFFFFFD8  }
0x1fc: {  	_ =	swait.ge [sflag:s0], $0x28  }
0x1fd: {  	[sflag:s0] =	ssyncset.done $0x0  }
0x1fe: {  	[sflag:s0] =	ssyncadd.s32 $0xFFFFFFD8  }
0x1ff: {  	_ =	swait.ge [sflag:s0], $0x28  }
0x200: {  	[sflag:s0] =	ssyncset.done $0x0  }
0x201: {  	[sflag:s0] =	ssyncadd.s32 $0xFFFFFFD8  }
0x202: {  	_ =	swait.ge [sflag:s0], $0x28  }
0x203: {  	[sflag:s0] =	ssyncset.done $0x0  }
0x204: {  	[sflag:s0] =	ssyncadd.s32 $0xFFFFFFD8  }
0x205: {  	_ =	swait.ge [sflag:s0], $0x28  }
0x206: {  	[sflag:s0] =	ssyncset.done $0x0  }
0x207: {  	[sflag:s0] =	ssyncadd.s32 $0xFFFFFFD8  }
0x208: {  	_ =	swait.ge [sflag:s0], $0x28  }
0x209: {  	[sflag:s0] =	ssyncset.done $0x0  }
0x20a: {  	[sflag:s0] =	ssyncadd.s32 $0xFFFFFFD8  }
0x20b: {  	_ =	swait.ge [sflag:s0], $0x10  }
0x20c: {  	s18 =	simm.s32 @!p0 $0x1E380;
	s15 =	simm.s32 @!p0 $0x80;
	[sflag:s0] =	ssyncset.done $0x0  }
0x20d: {  	s17 =	simm.s32 @!p0 $0x200;
	s19 =	rddreg [dreg:$0xe];
	[sflag:s0] =	ssyncadd.s32 $0xFFFFFFF0  }
0x20e: {  	[tilespmem:s18], [sflag:$0x5] =	stream.strided.gather @!p0 [hbm4b:s19+s15], $0x800, s17, s15, $0x38;
	[tilespmem:$0x1F200] =	vst v63  }
0x20f: {  	v6 =	vld [tilespmem:$0x0];
	_ =	sdelay $0x4  }
0x210: {  	v7 =	vshrl.u32 v6, $0x3  }
0x211: {  	v7 =	vmul.u32 $0x60, v7  }
0x212: {  	v6 =	vand.u32 $0x7, v6  }
0x213: {  	v6 =	vor.u32 v6, v7  }
0x214: {  	v7 =	vperm.xlane v6, v1;
	_ =	sdelay $0x1  }
0x215: {  	v7 =	vadd.s32 v2, v7;
	_ =	sdelay $0x4  }
0x216: {  	[tilespmem:s25], [sflag:$0x1] =	stream.indirect_vreg.gather [hbm4b:s1+s3], $0x80, v7, vm0, $0xb8;
	[tilespmem:$0x1F200] =	vst v63  }
0x217: {  	s2 =	simm.s32 $0xB80  }
0x218: {  	[tilespmem:s2], [sflag:$0x1] =	stream.indirect_vreg.gather [hbm4b:s12+s3], $0x80, v7, vm0, $0xb8;
	[tilespmem:$0x1F200] =	vst v63  }
0x219: {  	s15 =	simm.s32 $0x1380  }
0x21a: {  	[tilespmem:s15], [sflag:$0x1] =	stream.indirect_vreg.gather [hbm4b:s13+s3], $0x80, v7, vm0, $0xb8;
	[tilespmem:$0x1F200] =	vst v63  }
0x21b: {  	s28 =	simm.s32 $0x1B80;
	v6 =	vperm.xlane v6, v3  }
0x21c: {  	[tilespmem:s28], [sflag:$0x1] =	stream.indirect_vreg.gather [hbm4b:s16+s3], $0x80, v7, vm0, $0xb8;
	[tilespmem:$0x1F200] =	vst v63  }
0x21d: {  	s31 =	simm.s32 $0x2380;
	v6 =	vadd.s32 v2, v6  }
0x21e: {  	[tilespmem:s31], [sflag:$0x1] =	stream.indirect_vreg.gather [hbm4b:s24+s3], $0x80, v7, vm0, $0xb8;
	[tilespmem:$0x1F200] =	vst v63  }
0x21f: {  	s4 =	simm.s32 $0x2B80  }
0x220: {  	[tilespmem:s4], [sflag:$0x1] =	stream.indirect_vreg.gather [hbm4b:s26+s3], $0x80, v7, vm0, $0xb8;
	[tilespmem:$0x1F200] =	vst v63  }
0x221: {  	s5 =	simm.s32 $0x3380  }
0x222: {  	[tilespmem:s5], [sflag:$0x1] =	stream.indirect_vreg.gather [hbm4b:s1+s3], $0x80, v6, vm0, $0xb8;
	[tilespmem:$0x1F200] =	vst v63  }
0x223: {  	s6 =	simm.s32 $0x3B80  }
0x224: {  	[tilespmem:s6], [sflag:$0x1] =	stream.indirect_vreg.gather [hbm4b:s12+s3], $0x80, v6, vm0, $0xb8;
	[tilespmem:$0x1F200] =	vst v63  }
0x225: {  	s7 =	simm.s32 $0x4380  }
0x226: {  	[tilespmem:s7], [sflag:$0x1] =	stream.indirect_vreg.gather [hbm4b:s13+s3], $0x80, v6, vm0, $0xb8;
	[tilespmem:$0x1F200] =	vst v63  }
0x227: {  	s8 =	simm.s32 $0x4B80  }
0x228: {  	[tilespmem:s8], [sflag:$0x1] =	stream.indirect_vreg.gather [hbm4b:s16+s3], $0x80, v6, vm0, $0xb8;
	[tilespmem:$0x1F200] =	vst v63  }
0x229: {  	s9 =	simm.s32 $0x5380  }
0x22a: {  	[tilespmem:s9], [sflag:$0x1] =	stream.indirect_vreg.gather [hbm4b:s24+s3], $0x80, v6, vm0, $0xb8;
	[tilespmem:$0x1F200] =	vst v63  }
0x22b: {  	s22 =	simm.s32 $0x5B80  }
0x22c: {  	[tilespmem:s22], [sflag:$0x1] =	stream.indirect_vreg.gather [hbm4b:s26+s3], $0x80, v6, vm0, $0xb8;
	[tilespmem:$0x1F200] =	vst v63  }
0x22d: {  	v6 =	vld [tilespmem:$0x10];
	_ =	sdelay $0x4  }
0x22e: {  	v7 =	vshrl.u32 v6, $0x3  }
0x22f: {  	v7 =	vmul.u32 $0x60, v7  }
0x230: {  	v6 =	vand.u32 $0x7, v6  }
0x231: {  	v6 =	vor.u32 v6, v7  }
0x232: {  	v7 =	vperm.xlane v6, v1;
	_ =	sdelay $0x1  }
0x233: {  	v7 =	vadd.s32 v2, v7;
	_ =	sdelay $0x3  }
0x234: {  	s19 =	simm.s32 $0x6380  }
0x235: {  	[tilespmem:s19], [sflag:$0x1] =	stream.indirect_vreg.gather [hbm4b:s1+s3], $0x80, v7, vm0, $0xb8;
	[tilespmem:$0x1F200] =	vst v63  }
0x236: {  	s20 =	simm.s32 $0x6B80  }
0x237: {  	[tilespmem:s20], [sflag:$0x1] =	stream.indirect_vreg.gather [hbm4b:s12+s3], $0x80, v7, vm0, $0xb8;
	[tilespmem:$0x1F200] =	vst v63  }
0x238: {  	s5 =	simm.s32 $0x7380  }
0x239: {  	[tilespmem:s5], [sflag:$0x1] =	stream.indirect_vreg.gather [hbm4b:s13+s3], $0x80, v7, vm0, $0xb8;
	[tilespmem:$0x1F200] =	vst v63  }
0x23a: {  	s0 =	simm.s32 $0x7B80;
	v6 =	vperm.xlane v6, v3  }
0x23b: {  	[tilespmem:s0], [sflag:$0x1] =	stream.indirect_vreg.gather [hbm4b:s16+s3], $0x80, v7, vm0, $0xb8;
	[tilespmem:$0x1F200] =	vst v63  }
0x23c: {  	v6 =	vadd.s32 v2, v6  }
0x23d: {  	[tilespmem:s21], [sflag:$0x1] =	stream.indirect_vreg.gather [hbm4b:s24+s3], $0x80, v7, vm0, $0xb8;
	[tilespmem:$0x1F200] =	vst v63  }
0x23e: {  	_ = 	snop  }
0x23f: {  	[tilespmem:s30], [sflag:$0x1] =	stream.indirect_vreg.gather [hbm4b:s26+s3], $0x80, v7, vm0, $0xb8;
	[tilespmem:$0x1F200] =	vst v63  }
0x240: {  	s17 =	simm.s32 $0x9380  }
0x241: {  	[tilespmem:s17], [sflag:$0x1] =	stream.indirect_vreg.gather [hbm4b:s1+s3], $0x80, v6, vm0, $0xb8;
	[tilespmem:$0x1F200] =	vst v63  }
0x242: {  	s18 =	simm.s32 $0x9B80  }
0x243: {  	[tilespmem:s18], [sflag:$0x1] =	stream.indirect_vreg.gather [hbm4b:s12+s3], $0x80, v6, vm0, $0xb8;
	[tilespmem:$0x1F200] =	vst v63  }
0x244: {  	s20 =	simm.s32 $0xA380  }
0x245: {  	[tilespmem:s20], [sflag:$0x1] =	stream.indirect_vreg.gather [hbm4b:s13+s3], $0x80, v6, vm0, $0xb8;
	[tilespmem:$0x1F200] =	vst v63  }
0x246: {  	s21 =	simm.s32 $0xAB80  }
0x247: {  	[tilespmem:s21], [sflag:$0x1] =	stream.indirect_vreg.gather [hbm4b:s16+s3], $0x80, v6, vm0, $0xb8;
	[tilespmem:$0x1F200] =	vst v63  }
0x248: {  	s22 =	simm.s32 $0xB380  }
0x249: {  	[tilespmem:s22], [sflag:$0x1] =	stream.indirect_vreg.gather [hbm4b:s24+s3], $0x80, v6, vm0, $0xb8;
	[tilespmem:$0x1F200] =	vst v63  }
0x24a: {  	s25 =	simm.s32 $0xBB80  }
0x24b: {  	[tilespmem:s25], [sflag:$0x1] =	stream.indirect_vreg.gather [hbm4b:s26+s3], $0x80, v6, vm0, $0xb8;
	[tilespmem:$0x1F200] =	vst v63  }
0x24c: {  	v6 =	vld.msk [tilespmem:$0x20], $0xff;
	_ =	sdelay $0x4  }
0x24d: {  	v7 =	vshrl.u32 v6, $0x3  }
0x24e: {  	v7 =	vmul.u32 $0x60, v7  }
0x24f: {  	v6 =	vand.u32 $0x7, v6  }
0x250: {  	v6 =	vor.u32 v6, v7  }
0x251: {  	v6 =	vperm.xlane v6, v1;
	_ =	sdelay $0x1  }
0x252: {  	v6 =	vadd.s32 v2, v6;
	_ =	sdelay $0x3  }
0x253: {  	s28 =	simm.s32 $0xC380  }
0x254: {  	[tilespmem:s28], [sflag:$0x1] =	stream.indirect_vreg.gather [hbm4b:s1+s3], $0x80, v6, vm0, $0xb8;
	[tilespmem:$0x1F200] =	vst v63  }
0x255: {  	s30 =	simm.s32 $0xCB80  }
0x256: {  	[tilespmem:s30], [sflag:$0x1] =	stream.indirect_vreg.gather [hbm4b:s12+s3], $0x80, v6, vm0, $0xb8;
	[tilespmem:$0x1F200] =	vst v63  }
0x257: {  	s31 =	simm.s32 $0xD380  }
0x258: {  	[tilespmem:s31], [sflag:$0x1] =	stream.indirect_vreg.gather [hbm4b:s13+s3], $0x80, v6, vm0, $0xb8;
	[tilespmem:$0x1F200] =	vst v63  }
0x259: {  	_ = 	snop  }
0x25a: {  	[tilespmem:s23], [sflag:$0x1] =	stream.indirect_vreg.gather [hbm4b:s16+s3], $0x80, v6, vm0, $0xb8;
	[tilespmem:$0x1F200] =	vst v63  }
.Ltmp2:
0x25b: {  	_ = 	snop;
	(pc) =	sbr.rel @p0 .LBB2_5-.Ltmp2, $4  }
0x25c: {  	_ = 	snop  }
0x25d: {  	[tilespmem:s11], [sflag:$0x1] =	stream.indirect_vreg.gather [hbm4b:s24+s3], $0x80, v6, vm0, $0xb8;
	[tilespmem:$0x1F200] =	vst v63  }
0x25e: {  	_ = 	snop  }
0x25f: {  	[tilespmem:s29], [sflag:$0x1] =	stream.indirect_vreg.gather [hbm4b:s26+s3], $0x80, v6, vm0, $0xb8;
	[tilespmem:$0x1F200] =	vst v63  }
0x260: {  	s0 =	simm.s32 $0x5  }
0x261: {  	_ =	swait.ge [sflag:s0], $0x800  }
0x262: {  	[sflag:s0] =	ssyncset.done $0x0  }
0x263: {  	s17 =	simm.s32 $0x0;
	[sflag:s0] =	ssyncadd.s32 $0xFFFFF800  }
0x264: {  	v6 =	vimm.s32 $0x0;
	s15 =	simm.s32 $0x40;
	v7 =	vld [tilespmem:s17+$0x1E380]  }
.LBB2_3:
0x265: {  	p1 =	sne.s32 s15, $0x1FC0  }
.Ltmp3:
0x266: {  	_ = 	snop;
	(pc) =	sbr.rel @p1 .LBB2_3-.Ltmp3, $3  }
0x267: {  	_ =	sdelay $0x1  }
0x268: {  	s17 =	sshra.s32 s15, $0x2;
	s15 =	sadd.s32 $0x40, s15;
	v6 =	vadd.s32 v6, v7  }
0x269: {  	v7 =	vld [tilespmem:s17+$0x1E380]  }
0x26a: {  	_ =	sdelay $0x3  }
0x26b: {  	v6 =	vadd.s32 v6, v7  }
0x26c: {  	(v2sf) =	vpush v6, $0x0  }
0x26d: {  	(v2sf) =	vpush v6, $0x1  }
0x26e: {  	(v2sf) =	vpush v6, $0x2  }
0x26f: {  	(v2sf) =	vpush v6, $0x3  }
0x270: {  	(v2sf) =	vpush v6, $0x4  }
0x271: {  	(v2sf) =	vpush v6, $0x5  }
0x272: {  	(v2sf) =	vpush v6, $0x6  }
0x273: {  	(v2sf) =	vpush v6, $0x7  }
0x274: {  	(v2sf) =	vpush v6, $0x8  }
0x275: {  	(v2sf) =	vpush v6, $0x9  }
0x276: {  	(v2sf) =	vpush v6, $0xA;
	_ =	sdelay $0x1  }
0x277: {  	(v2sf) =	vpush v6, $0xB  }
0x278: {  	(v2sf) =	vpush v6, $0xC  }
0x279: {  	(v2sf) =	vpush v6, $0xD  }
0x27a: {  	(v2sf) =	vpush v6, $0xE;
	s15 =	spop (v2sf)  }
0x27b: {  	(v2sf) =	vpush v6, $0xF;
	s17 =	spop (v2sf)  }
0x27c: {  	s18 =	spop (v2sf);
	s15 =	sadd.s32 s15, s17  }
0x27d: {  	s6 =	spop (v2sf);
	s15 =	sadd.s32 s18, s15  }
0x27e: {  	s7 =	spop (v2sf);
	s15 =	sadd.s32 s6, s15  }
0x27f: {  	s8 =	spop (v2sf);
	s15 =	sadd.s32 s7, s15  }
0x280: {  	s9 =	spop (v2sf);
	s15 =	sadd.s32 s8, s15  }
0x281: {  	s30 =	rddreg [dreg:$0xf];
	s11 =	spop (v2sf);
	s15 =	sadd.s32 s9, s15  }
0x282: {  	s31 =	simm.s32 $0x80;
	s19 =	spop (v2sf);
	s15 =	sadd.s32 s11, s15  }
0x283: {  	s0 =	simm.s32 $0x1E380;
	s20 =	spop (v2sf);
	s15 =	sadd.s32 s19, s15  }
0x284: {  	s19 =	simm.s32 $0x200;
	s21 =	spop (v2sf);
	s15 =	sadd.s32 s20, s15  }
0x285: {  	[tilespmem:s0], [sflag:$0x5] =	stream.strided.gather [hbm4b:s30+s31], $0x800, s19, s31, $0x38;
	[tilespmem:$0x1F200] =	vst v63  }
0x286: {  	s22 =	spop (v2sf);
	s15 =	sadd.s32 s21, s15  }
0x287: {  	s23 =	spop (v2sf);
	s15 =	sadd.s32 s22, s15  }
0x288: {  	s25 =	spop (v2sf);
	s15 =	sadd.s32 s23, s15  }
0x289: {  	s28 =	spop (v2sf);
	s15 =	sadd.s32 s25, s15  }
0x28a: {  	s29 =	spop (v2sf);
	s15 =	sadd.s32 s28, s15  }
0x28b: {  	s15 =	sadd.s32 s29, s15  }
0x28c: {  	s15 =	sadd.s32 $0xFFFFFFFF, s15  }
0x28d: {  	s19 =	simm.s32 $0x6380;
	[smem:$0x0] =	sst s15  }
.LBB2_5:
0x28e: {  	v6 =	vld [tilespmem:$0x80];
	_ =	sdelay $0x4  }
0x28f: {  	v7 =	vshrl.u32 v6, $0x3  }
0x290: {  	v7 =	vmul.u32 $0x60, v7  }
0x291: {  	v6 =	vand.u32 $0x7, v6  }
0x292: {  	v6 =	vor.u32 v6, v7  }
0x293: {  	v7 =	vperm.xlane v6, v1;
	_ =	sdelay $0x1  }
0x294: {  	v7 =	vadd.s32 v2, v7;
	_ =	sdelay $0x4  }
0x295: {  	[tilespmem:s14], [sflag:$0x2] =	stream.indirect_vreg.gather [hbm4b:s1+s3], $0x80, v7, vm0, $0xb8;
	[tilespmem:$0x1F200] =	vst v63  }
0x296: {  	s0 =	simm.s32 $0xFB80  }
0x297: {  	[tilespmem:s0], [sflag:$0x2] =	stream.indirect_vreg.gather [hbm4b:s12+s3], $0x80, v7, vm0, $0xb8;
	[tilespmem:$0x1F200] =	vst v63  }
0x298: {  	s20 =	simm.s32 $0x10380  }
0x299: {  	[tilespmem:s20], [sflag:$0x2] =	stream.indirect_vreg.gather [hbm4b:s13+s3], $0x80, v7, vm0, $0xb8;
	[tilespmem:$0x1F200] =	vst v63  }
0x29a: {  	s21 =	simm.s32 $0x10B80;
	v6 =	vperm.xlane v6, v3  }
0x29b: {  	[tilespmem:s21], [sflag:$0x2] =	stream.indirect_vreg.gather [hbm4b:s16+s3], $0x80, v7, vm0, $0xb8;
	[tilespmem:$0x1F200] =	vst v63  }
0x29c: {  	s22 =	simm.s32 $0x11380;
	v6 =	vadd.s32 v2, v6  }
0x29d: {  	[tilespmem:s22], [sflag:$0x2] =	stream.indirect_vreg.gather [hbm4b:s24+s3], $0x80, v7, vm0, $0xb8;
	[tilespmem:$0x1F200] =	vst v63  }
0x29e: {  	s23 =	simm.s32 $0x11B80  }
0x29f: {  	[tilespmem:s23], [sflag:$0x2] =	stream.indirect_vreg.gather [hbm4b:s26+s3], $0x80, v7, vm0, $0xb8;
	[tilespmem:$0x1F200] =	vst v63  }
0x2a0: {  	s25 =	simm.s32 $0x12380  }
0x2a1: {  	[tilespmem:s25], [sflag:$0x2] =	stream.indirect_vreg.gather [hbm4b:s1+s3], $0x80, v6, vm0, $0xb8;
	[tilespmem:$0x1F200] =	vst v63  }
0x2a2: {  	s28 =	simm.s32 $0x12B80  }
0x2a3: {  	[tilespmem:s28], [sflag:$0x2] =	stream.indirect_vreg.gather [hbm4b:s12+s3], $0x80, v6, vm0, $0xb8;
	[tilespmem:$0x1F200] =	vst v63  }
0x2a4: {  	s29 =	simm.s32 $0x13380  }
0x2a5: {  	[tilespmem:s29], [sflag:$0x2] =	stream.indirect_vreg.gather [hbm4b:s13+s3], $0x80, v6, vm0, $0xb8;
	[tilespmem:$0x1F200] =	vst v63  }
0x2a6: {  	s30 =	simm.s32 $0x13B80  }
0x2a7: {  	[tilespmem:s30], [sflag:$0x2] =	stream.indirect_vreg.gather [hbm4b:s16+s3], $0x80, v6, vm0, $0xb8;
	[tilespmem:$0x1F200] =	vst v63  }
0x2a8: {  	s31 =	simm.s32 $0x14380  }
0x2a9: {  	[tilespmem:s31], [sflag:$0x2] =	stream.indirect_vreg.gather [hbm4b:s24+s3], $0x80, v6, vm0, $0xb8;
	[tilespmem:$0x1F200] =	vst v63  }
0x2aa: {  	s2 =	simm.s32 $0x14B80  }
0x2ab: {  	[tilespmem:s2], [sflag:$0x2] =	stream.indirect_vreg.gather [hbm4b:s26+s3], $0x80, v6, vm0, $0xb8;
	[tilespmem:$0x1F200] =	vst v63  }
0x2ac: {  	v6 =	vld [tilespmem:$0x90];
	_ =	sdelay $0x4  }
0x2ad: {  	v7 =	vshrl.u32 v6, $0x3  }
0x2ae: {  	v7 =	vmul.u32 $0x60, v7  }
0x2af: {  	v6 =	vand.u32 $0x7, v6  }
0x2b0: {  	v6 =	vor.u32 v6, v7  }
0x2b1: {  	v7 =	vperm.xlane v6, v1;
	_ =	sdelay $0x1  }
0x2b2: {  	v7 =	vadd.s32 v2, v7;
	_ =	sdelay $0x3  }
0x2b3: {  	s4 =	simm.s32 $0x15380  }
0x2b4: {  	[tilespmem:s4], [sflag:$0x2] =	stream.indirect_vreg.gather [hbm4b:s1+s3], $0x80, v7, vm0, $0xb8;
	[tilespmem:$0x1F200] =	vst v63  }
0x2b5: {  	s6 =	simm.s32 $0x15B80  }
0x2b6: {  	[tilespmem:s6], [sflag:$0x2] =	stream.indirect_vreg.gather [hbm4b:s12+s3], $0x80, v7, vm0, $0xb8;
	[tilespmem:$0x1F200] =	vst v63  }
0x2b7: {  	s7 =	simm.s32 $0x16380  }
0x2b8: {  	[tilespmem:s7], [sflag:$0x2] =	stream.indirect_vreg.gather [hbm4b:s13+s3], $0x80, v7, vm0, $0xb8;
	[tilespmem:$0x1F200] =	vst v63  }
0x2b9: {  	s8 =	simm.s32 $0x16B80;
	v6 =	vperm.xlane v6, v3  }
0x2ba: {  	[tilespmem:s8], [sflag:$0x2] =	stream.indirect_vreg.gather [hbm4b:s16+s3], $0x80, v7, vm0, $0xb8;
	[tilespmem:$0x1F200] =	vst v63  }
0x2bb: {  	s9 =	simm.s32 $0x17380;
	v6 =	vadd.s32 v2, v6  }
0x2bc: {  	[tilespmem:s9], [sflag:$0x2] =	stream.indirect_vreg.gather [hbm4b:s24+s3], $0x80, v7, vm0, $0xb8;
	[tilespmem:$0x1F200] =	vst v63  }
0x2bd: {  	s11 =	simm.s32 $0x17B80  }
0x2be: {  	[tilespmem:s11], [sflag:$0x2] =	stream.indirect_vreg.gather [hbm4b:s26+s3], $0x80, v7, vm0, $0xb8;
	[tilespmem:$0x1F200] =	vst v63  }
0x2bf: {  	s14 =	simm.s32 $0x18380  }
0x2c0: {  	[tilespmem:s14], [sflag:$0x2] =	stream.indirect_vreg.gather [hbm4b:s1+s3], $0x80, v6, vm0, $0xb8;
	[tilespmem:$0x1F200] =	vst v63  }
0x2c1: {  	s15 =	simm.s32 $0x18B80  }
0x2c2: {  	[tilespmem:s15], [sflag:$0x2] =	stream.indirect_vreg.gather [hbm4b:s12+s3], $0x80, v6, vm0, $0xb8;
	[tilespmem:$0x1F200] =	vst v63  }
0x2c3: {  	s17 =	simm.s32 $0x19380  }
0x2c4: {  	[tilespmem:s17], [sflag:$0x2] =	stream.indirect_vreg.gather [hbm4b:s13+s3], $0x80, v6, vm0, $0xb8;
	[tilespmem:$0x1F200] =	vst v63  }
0x2c5: {  	s18 =	simm.s32 $0x19B80  }
0x2c6: {  	[tilespmem:s18], [sflag:$0x2] =	stream.indirect_vreg.gather [hbm4b:s16+s3], $0x80, v6, vm0, $0xb8;
	[tilespmem:$0x1F200] =	vst v63  }
0x2c7: {  	s20 =	simm.s32 $0x1A380  }
0x2c8: {  	[tilespmem:s20], [sflag:$0x2] =	stream.indirect_vreg.gather [hbm4b:s24+s3], $0x80, v6, vm0, $0xb8;
	[tilespmem:$0x1F200] =	vst v63  }
0x2c9: {  	s21 =	simm.s32 $0x1AB80  }
0x2ca: {  	[tilespmem:s21], [sflag:$0x2] =	stream.indirect_vreg.gather [hbm4b:s26+s3], $0x80, v6, vm0, $0xb8;
	[tilespmem:$0x1F200] =	vst v63  }
0x2cb: {  	v6 =	vld.msk [tilespmem:$0xA0], $0xff;
	_ =	sdelay $0x4  }
0x2cc: {  	v7 =	vshrl.u32 v6, $0x3  }
0x2cd: {  	v7 =	vmul.u32 $0x60, v7  }
0x2ce: {  	v6 =	vand.u32 $0x7, v6  }
0x2cf: {  	v6 =	vor.u32 v6, v7  }
0x2d0: {  	v6 =	vperm.xlane v6, v1;
	_ =	sdelay $0x1  }
0x2d1: {  	v6 =	vadd.s32 v2, v6;
	_ =	sdelay $0x3  }
0x2d2: {  	s22 =	simm.s32 $0x1B380  }
0x2d3: {  	[tilespmem:s22], [sflag:$0x2] =	stream.indirect_vreg.gather [hbm4b:s1+s3], $0x80, v6, vm0, $0xb8;
	[tilespmem:$0x1F200] =	vst v63  }
0x2d4: {  	s23 =	simm.s32 $0x1BB80  }
0x2d5: {  	[tilespmem:s23], [sflag:$0x2] =	stream.indirect_vreg.gather [hbm4b:s12+s3], $0x80, v6, vm0, $0xb8;
	[tilespmem:$0x1F200] =	vst v63  }
0x2d6: {  	s25 =	simm.s32 $0x1C380  }
0x2d7: {  	[tilespmem:s25], [sflag:$0x2] =	stream.indirect_vreg.gather [hbm4b:s13+s3], $0x80, v6, vm0, $0xb8;
	[tilespmem:$0x1F200] =	vst v63  }
0x2d8: {  	s28 =	simm.s32 $0x1CB80  }
0x2d9: {  	[tilespmem:s28], [sflag:$0x2] =	stream.indirect_vreg.gather [hbm4b:s16+s3], $0x80, v6, vm0, $0xb8;
	[tilespmem:$0x1F200] =	vst v63  }
0x2da: {  	s29 =	simm.s32 $0x1D380  }
0x2db: {  	[tilespmem:s29], [sflag:$0x2] =	stream.indirect_vreg.gather [hbm4b:s24+s3], $0x80, v6, vm0, $0xb8;
	[tilespmem:$0x1F200] =	vst v63  }
0x2dc: {  	s30 =	simm.s32 $0x1DB80  }
0x2dd: {  	[tilespmem:s30], [sflag:$0x2] =	stream.indirect_vreg.gather [hbm4b:s26+s3], $0x80, v6, vm0, $0xb8;
	[tilespmem:$0x1F200] =	vst v63  }
.Ltmp4:
0x2de: {  	s31 =	simm.s32 $0x1;
	(pc) =	sbr.rel @p0 .LBB2_9-.Ltmp4, $4  }
0x2df: {  	_ =	swait.ge [sflag:s31], $0xF000  }
0x2e0: {  	s0 =	simm.s32 $0x380;
	[sflag:s31] =	ssyncset.done $0x0  }
0x2e1: {  	s4 =	smov.u32 s10;
	s15 =	rddreg [dreg:$0x11];
	[sflag:s31] =	ssyncadd.s32 $0xFFFF1000  }
0x2e2: {  	[hbm4b:s15+s3] =	stream.linear.scatter [tilespmem:s0], [sflag:$0x3], $0xF000, $0x38;
	[tilespmem:$0x1F200] =	vst v63  }
0x2e3: {  	s2 =	simm.s32 $0x5  }
0x2e4: {  	_ =	swait.ge [sflag:s2], $0x800  }
0x2e5: {  	[sflag:s2] =	ssyncset.done $0x0  }
0x2e6: {  	s15 =	simm.s32 $0x1E380;
	[sflag:s2] =	ssyncadd.s32 $0xFFFFF800  }
0x2e7: {  	s17 =	sld [smem:$0x0];
	v8 =	vld [tilespmem:s15+$0x0];
	_ =	sdelay $0x1  }
0x2e8: {  	s31 =	simm.s32 $0x0  }
0x2e9: {  	v7 =	vor.u32 s31, v0;
	v6 =	vmov s17  }
0x2ea: {  	vm2 =	veq.s32 v7, v6  }
0x2eb: {  	s15 =	simm.s32 $0x10;
	s17 =	simm.s32 $0x1E390;
	v7 =	vimm.s32 $0xFFFFFFFF;
	v8 =	vnsel vm2, $0xFFFFFFFF, v8  }
.LBB2_7:
0x2ec: {  	v9 =	vld [tilespmem:s17+$0x0];
	p1 =	sne.s32 s15, $0x7F0;
	vm2 =	vgt.s32 v7, v8;
	s18 =	smov.u32 s15;
	s15 =	sadd.s32 $0x10, s15  }
.Ltmp5:
0x2ed: {  	v7 =	vsel vm2, v7, v8;
	(pc) =	sbr.rel @p1 .LBB2_7-.Ltmp5, $4  }
0x2ee: {  	_ = 	snop  }
0x2ef: {  	v8 =	vor.u32 s18, v0  }
0x2f0: {  	vm2 =	veq.s32 v8, v6  }
0x2f1: {  	s17 =	sadd.s32 $0x10, s17;
	v8 =	vnsel vm2, $0xFFFFFFFF, v9  }
.Ltmp6:
0x2f2: {  	_ = 	snop;
	(pc) =	sbr.rel .LBB2_8-.Ltmp6, $1  }
0x2f3: {  	_ =	sdelay $0x3  }
.LBB2_10:
0x2f4: {  	_ =	sfence.sel $0x180000  }
0x2f5: {  	[bflag:$0x0] =	sbarrier.arrive $0xFFFF  }
0x2f6: {  	_ =	strace $0x90000047  }
0x2f7: {  	s0 =	stileid.u32;
	[bflag:$0x2] =	sbarrier.arrive $0xFFFF  }
0x2f8: {  	p0 =	sne.s32 s0, $0x0;
	s0 =	rddreg [dreg:$0x6]  }
0x2f9: {  	s0 =	sadd.s32 @!p0 $0x100000, s0  }
0x2fa: {  	[sflag:s0] =	ssyncadd.tile.s32 @!p0 $0x1;
	_ =	shalt  }
.Lfunc_end2:
_tile_overlayer_lowered:
.L_overlay_start_2:
0x2fb: {  	(tag) =	ssettag $0x2  }
0x2fc: {  	s0 =	rddreg [dreg:$0x0];
	s2 =	stileid.u32  }
0x2fd: {  	s1 =	rddreg [dreg:$0x1];
	p0 =	sne.s32 s2, $0x0  }
0x2fe: {  	s3 =	rddreg [dreg:$0x2];
	[bflag:$0x3] =	sbarrier.arrive $0xFFFF;
	s2 =	simm.s32 @!p0 $0x1C08  }
0x2ff: {  	[timem:s3], [sflag:s2] =	dma.local @!p0 [hbm:s0], s1  }
0x300: {  	s0 =	simm.s32 @!p0 $0x8  }
0x301: {  	_ =	swait.ge @!p0 [sflag:s0], s1  }
0x302: {  	s1 =	ssub.s32 @!p0 $0x0, s1;
	[sflag:s0] =	ssyncset.done @!p0 $0x0  }
0x303: {  	[sflag:s0] =	ssyncadd.s32 @!p0 s1  }
0x304: {  	[bflag:$0x3] =	sbarrier.arrive $0xFFFF  }
0x305: {  	_ =	shalt  }

</sc_bundles>
